<compile_context>
chip_gen: v7x
topology: tpu7x:2x2x1
jax: 0.10.2.dev20260603
libtpu: 0.0.44.dev20260713+nightly
codegen_flags: <defaults>
</compile_context>

<pallas_src>
import functools

import jax
import jax.numpy as jnp
from jax import lax
from jax.experimental import pallas as pl
from jax.experimental.pallas import tpu as pltpu
from jax.experimental.pallas import tpu_sc as plsc

_B = 4096
_HN = 50
_D = 64
_NI = 100000
_ALPHA = 0.5
_BETA = 0.5
_LAM = 1e-7
_GAM = 1e-7
_ETA = 1e-5

_UBLK = 32
_ASTEPS = 256 // _UBLK
_BBLK = _B // _ASTEPS

_NW = 32
_TOT = _B * _HN
_CHUNK = _TOT // _NW


def _tables_body(ef_ref, w_ref, b_ref, h_ref, ui_ref, ii_ref,
                 et_ref, eg_ref, flat_ref, sw_ref, ps_ref, pt_ref, gs_ref):
    i = pl.program_id(0)

    @pl.when(i == 0)
    def _():
        ef = ef_ref[...]
        w = w_ref[...]
        ps_ref[...] = lax.dot_general(ef, w, (((0,), (0,)), ((), ())),
                                      precision=lax.Precision.HIGHEST,
                                      preferred_element_type=jnp.float32)
        pt_ref[...] = lax.dot_general(w, ef, (((0,), (0,)), ((), ())),
                                      precision=lax.Precision.HIGHEST,
                                      preferred_element_type=jnp.float32)
        gs_ref[...] = lax.dot_general(ef, ef, (((0,), (0,)), ((), ())),
                                      precision=lax.Precision.HIGHEST,
                                      preferred_element_type=jnp.float32)
        sw_ref[0, 0] = jnp.sum(w * w)

    p_u = ps_ref[pl.ds(i * _UBLK, _UBLK), :]
    pt = pt_ref[...]
    g = gs_ref[pl.ds(i * _UBLK, _UBLK), :]
    pre = p_u[:, :, None] + pt[None, :, :] + b_ref[...][None, :, :]
    sig = 1.0 / (1.0 + jnp.exp(-pre))
    t = jnp.sum(sig * h_ref[...][None, :, :], axis=1)
    et = jnp.exp(t)
    et_ref[...] = et
    eg_ref[...] = et * g
    flat_ref[...] = ui_ref[...] * 256 + ii_ref[...]


_tables_call = pl.pallas_call(
    _tables_body,
    grid=(_ASTEPS,),
    in_specs=[
        pl.BlockSpec((_D, 256), lambda i: (0, 0)),
        pl.BlockSpec((_D, _D), lambda i: (0, 0)),
        pl.BlockSpec((_D, 1), lambda i: (0, 0)),
        pl.BlockSpec((_D, 1), lambda i: (0, 0)),
        pl.BlockSpec((_HN, _BBLK), lambda i: (0, i)),
        pl.BlockSpec((1, _BBLK), lambda i: (0, i)),
    ],
    out_specs=[
        pl.BlockSpec((_UBLK, 256), lambda i: (i, 0)),
        pl.BlockSpec((_UBLK, 256), lambda i: (i, 0)),
        pl.BlockSpec((_HN, _BBLK), lambda i: (0, i)),
        pl.BlockSpec(memory_space=pltpu.SMEM, block_shape=(1, 1),
                     index_map=lambda i: (0, 0)),
    ],
    out_shape=[
        jax.ShapeDtypeStruct((256, 256), jnp.float32),
        jax.ShapeDtypeStruct((256, 256), jnp.float32),
        jax.ShapeDtypeStruct((_HN, _B), jnp.int32),
        jax.ShapeDtypeStruct((1, 1), jnp.float32),
    ],
    scratch_shapes=[
        pltpu.VMEM((256, _D), jnp.float32),
        pltpu.VMEM((_D, 256), jnp.float32),
        pltpu.VMEM((256, 256), jnp.float32),
    ],
)


_SCHUNK = _TOT // 16


@functools.cache
def _make_sc_gather():
    mesh = plsc.VectorSubcoreMesh(core_axis_name="c", subcore_axis_name="s",
                                  num_cores=2, num_subcores=16)

    @functools.partial(
        pl.kernel,
        out_type=jax.ShapeDtypeStruct((2, _TOT), jnp.float32),
        mesh=mesh,
        scratch_types=[
            pltpu.VMEM((65536,), jnp.float32),
            pltpu.VMEM((_SCHUNK,), jnp.int32),
            pltpu.VMEM((_SCHUNK,), jnp.float32),
        ],
        compiler_params=pltpu.CompilerParams(use_tc_tiling_on_sc=False,
                                             needs_layout_passes=False),
    )
    def sc_gather(et_hbm, eg_hbm, flat_hbm, out_hbm, tab_v, idx_v, val_v):
        c = lax.axis_index("c")
        s = lax.axis_index("s")
        base = s * _SCHUNK

        @pl.when(c == 0)
        def _():
            pltpu.sync_copy(et_hbm, tab_v)

        @pl.when(c == 1)
        def _():
            pltpu.sync_copy(eg_hbm, tab_v)

        pltpu.sync_copy(flat_hbm.at[pl.ds(base, _SCHUNK)], idx_v)

        def body(i, carry):
            for k in range(16):
                off = i * 256 + k * 16
                iv = idx_v[pl.ds(off, 16)]
                val_v[pl.ds(off, 16)] = plsc.load_gather(tab_v, [iv])
            return carry

        lax.fori_loop(0, _SCHUNK // 256, body, 0)
        pltpu.sync_copy(val_v, out_hbm.at[c, pl.ds(base, _SCHUNK)])

    return sc_gather


def _reduce_body(ge_ref, gg_ref, nif_ref, nb_ref, lab_ref, ii_ref, bias_ref,
                 sw_ref, sq_ref, sq2_ref, loss_ref, acc_ref):
    i = pl.program_id(0)
    total = jnp.sum(nif_ref[...])
    jj = lax.broadcasted_iota(jnp.int32, (_HN, 1), 0)
    maskf = ((jj + 1).astype(jnp.float32) <= total).astype(jnp.float32)
    ge = ge_ref[...][0]
    gg = gg_ref[...][0]
    denom = jnp.sum(ge * maskf, axis=0, keepdims=True)
    numer = jnp.sum(gg * maskf, axis=0, keepdims=True)
    nb = nb_ref[...]
    labs = lab_ref[...]
    coeff = 1.0 / jnp.sqrt(nb)
    dot = numer / jnp.sqrt(denom)
    uu = lax.broadcasted_iota(jnp.int32, (256, 1), 0)
    onehot = (ii_ref[...] == uu).astype(jnp.float32)
    biasv = jnp.sum(onehot * bias_ref[...], axis=0, keepdims=True)
    arg = coeff * dot + biasv
    out = 1.0 / (1.0 + jnp.exp(-arg))
    outc = jnp.clip(out, 1e-12, 1.0)
    t = labs * jnp.log(outc) + (1.0 - labs) * jnp.log(1.0 - outc)
    part = jnp.sum(t)

    @pl.when(i == 0)
    def _():
        acc_ref[0, 0] = 0.0

    acc_ref[0, 0] += part

    @pl.when(i == _ASTEPS - 1)
    def _():
        loss_ref[0, 0] = (-acc_ref[0, 0] / _B
                          + _LAM * jnp.sqrt(sq_ref[0, 0])
                          + _GAM * jnp.sqrt(sq2_ref[0, 0])
                          + _ETA * jnp.sqrt(sw_ref[0, 0]))


_reduce_call = pl.pallas_call(
    _reduce_body,
    grid=(_ASTEPS,),
    in_specs=[
        pl.BlockSpec((1, _HN, _BBLK), lambda i: (0, 0, i)),
        pl.BlockSpec((1, _HN, _BBLK), lambda i: (1, 0, i)),
        pl.BlockSpec((1, _B), lambda i: (0, 0)),
        pl.BlockSpec((1, _BBLK), lambda i: (0, i)),
        pl.BlockSpec((1, _BBLK), lambda i: (0, i)),
        pl.BlockSpec((1, _BBLK), lambda i: (0, i)),
        pl.BlockSpec((256, 1), lambda i: (0, 0)),
        pl.BlockSpec(memory_space=pltpu.SMEM, block_shape=(1, 1),
                     index_map=lambda i: (0, 0)),
        pl.BlockSpec(memory_space=pltpu.SMEM, block_shape=(1, 1),
                     index_map=lambda i: (0, 0)),
        pl.BlockSpec(memory_space=pltpu.SMEM, block_shape=(1, 1),
                     index_map=lambda i: (0, 0)),
    ],
    out_specs=pl.BlockSpec(memory_space=pltpu.SMEM, block_shape=(1, 1),
                           index_map=lambda i: (0, 0)),
    out_shape=jax.ShapeDtypeStruct((1, 1), jnp.float32),
    scratch_shapes=[pltpu.SMEM((1, 1), jnp.float32)],
)


_NBLK = 12800
_NSTEPS = 8


def _norm_body(q_ref, q2_ref, sq_ref, sq2_ref):
    i = pl.program_id(0)

    @pl.when(i == 0)
    def _():
        sq_ref[0, 0] = 0.0
        sq2_ref[0, 0] = 0.0

    @pl.when(i < _NSTEPS - 1)
    def _():
        q = q_ref[...]
        q2 = q2_ref[...]
        sq_ref[0, 0] += jnp.sum(q * q)
        sq2_ref[0, 0] += jnp.sum(q2 * q2)

    @pl.when(i == _NSTEPS - 1)
    def _():
        lane = lax.broadcasted_iota(jnp.int32, (_D, _NBLK), 1)
        q = q_ref[...]
        q2 = q2_ref[...]
        nq = _NI - (_NSTEPS - 1) * _NBLK
        sq_ref[0, 0] += jnp.sum(jnp.where(lane < nq, q * q, 0.0))
        sq2_ref[0, 0] += jnp.sum(jnp.where(lane < nq + 1, q2 * q2, 0.0))


_norm_call = pl.pallas_call(
    _norm_body,
    grid=(_NSTEPS,),
    in_specs=[
        pl.BlockSpec((_D, _NBLK), lambda i: (0, i)),
        pl.BlockSpec((_D, _NBLK), lambda i: (0, i)),
    ],
    out_specs=[
        pl.BlockSpec(memory_space=pltpu.SMEM, block_shape=(1, 1),
                     index_map=lambda i: (0, 0)),
        pl.BlockSpec(memory_space=pltpu.SMEM, block_shape=(1, 1),
                     index_map=lambda i: (0, 0)),
    ],
    out_shape=[
        jax.ShapeDtypeStruct((1, 1), jnp.float32),
        jax.ShapeDtypeStruct((1, 1), jnp.float32),
    ],
)


def kernel(user_input, num_idx, item_input, labels, embedding_Q,
           embedding_Q_, bias, W, b, h):
    uit = jnp.mod(user_input, 256).astype(jnp.int32).T
    iit = jnp.mod(item_input, 256).astype(jnp.int32).reshape(1, _B)
    e256t = embedding_Q.T[:, :256]
    biascol = bias[:256].reshape(256, 1)

    et, eg, flat, sw = _tables_call(e256t, W, b.T, h, uit, iit)
    gath = _make_sc_gather()(et.reshape(-1), eg.reshape(-1),
                             flat.reshape(-1))
    g3 = gath.reshape(2, _HN, _B)
    ssq, ssq2 = _norm_call(embedding_Q.T, embedding_Q_.T)

    loss = _reduce_call(g3, g3, num_idx.reshape(1, _B),
                        num_idx.reshape(1, _B), labels.reshape(1, _B),
                        iit, biascol, sw, ssq, ssq2)
    return loss[0, 0]

# --- scband reference (transcript-rebuilt; emitter-appended) ---
"""Pipeline reference for scband-nais-torch-55181739819616 (READ-ONLY COPY).

The authoritative reference and input builder live on the scoring server;
editing this copy changes nothing except your own understanding.
"""

import jax, jax.numpy as jnp
import numpy as np

NUM_ITEMS = 100000
EMBED = 64
WEIGHT = 64
BATCH = 4096
HIST = 50
ALPHA = 0.5
BETA = 0.5
LAM = 1e-7
GAM = 1e-7
ETA = 1e-5


def setup_inputs(seed: int = 0):
    key = jax.random.key(seed)
    ks = jax.random.split(key, 10)
    user_input = jax.random.randint(ks[0], (BATCH, HIST), 0, 256, dtype=jnp.int64 if jax.config.jax_enable_x64 else jnp.int32)
    num_idx = jax.random.uniform(ks[1], (BATCH,), jnp.float32) * 49.0 + 1.0
    item_input = jax.random.randint(ks[2], (BATCH,), 0, 256, dtype=jnp.int64 if jax.config.jax_enable_x64 else jnp.int32)
    labels = jax.random.uniform(ks[3], (BATCH,), jnp.float32)
    embedding_Q = jax.random.uniform(ks[4], (NUM_ITEMS, EMBED), jnp.float32) * 0.01
    embedding_Q_ = jnp.concatenate([jax.random.uniform(ks[5], (NUM_ITEMS, EMBED), jnp.float32) * 0.01, jnp.zeros((1, EMBED), jnp.float32)], axis=0)
    bias = jnp.zeros((NUM_ITEMS,), jnp.float32)
    W = jax.random.uniform(ks[6], (EMBED, WEIGHT), jnp.float32) * (2.0 / (WEIGHT + EMBED))
    b = jax.random.uniform(ks[7], (1, WEIGHT), jnp.float32) * (2.0 / (WEIGHT + EMBED))
    h = jnp.ones((WEIGHT, 1), jnp.float32)
    return {"user_input": user_input, "num_idx": num_idx, "item_input": item_input, "labels": labels,
            "embedding_Q": embedding_Q, "embedding_Q_": embedding_Q_, "bias": bias, "W": W, "b": b, "h": h}


def reference(user_input, num_idx, item_input, labels, embedding_Q, embedding_Q_, bias, W, b, h):
    B, n = user_input.shape
    # torch .type(ByteTensor) wraps indices mod 256
    ui = jnp.mod(user_input, 256)
    ii = jnp.mod(item_input, 256).reshape(-1, 1)
    embedding_q_ = jnp.take(embedding_Q, ui, axis=0)   # [B, n, d]
    embedding_q = jnp.take(embedding_Q, ii, axis=0)    # [B, 1, d]
    # algorithm == 0: additive combination
    q_ = embedding_q_ + embedding_q                    # [B, n, d]
    mlp = jax.nn.sigmoid(q_.reshape(-1, EMBED) @ W + b)  # activation == 0 -> sigmoid
    A_ = (mlp @ h).reshape(B, n)
    exp_A = jnp.exp(A_)
    total = num_idx.sum()
    cum = jnp.cumsum(jnp.ones((B, n), jnp.float32), axis=1)
    mask = ~(cum > total)
    exp_A = mask.astype(jnp.float32) * exp_A
    exp_sum = jnp.power(exp_A.sum(axis=1), BETA)
    A = (exp_A / exp_sum.reshape(-1, 1)).reshape(-1, n, 1)
    a_ = (A * embedding_q_).sum(axis=1)                # [B, d]
    emb_q_sum = embedding_q.sum(axis=1)                # [B, d]
    bias_i = jnp.take(bias, ii, axis=0).reshape(-1)
    coeff = jnp.power(num_idx, -ALPHA)
    output = jax.nn.sigmoid(coeff * (a_ * emb_q_sum).sum(axis=1) + bias_i)
    eps = 1e-12
    outc = jnp.clip(output, eps, 1.0 - eps)
    bce = -(labels * jnp.log(outc) + (1.0 - labels) * jnp.log(1.0 - outc)).mean()
    loss = bce + LAM * jnp.linalg.norm(embedding_Q) + GAM * jnp.linalg.norm(embedding_Q_) + ETA * jnp.linalg.norm(W)
    return loss

if __name__ == "__main__":
    import jax
    _d = setup_inputs()
    print(jax.jit(kernel)(*tuple(_d.values())))

</pallas_src>

<mosaic_0001>
#map = affine_map<(d0, d1) -> (0)>
#map1 = affine_map<(d0, d1) -> (0, 0)>
module attributes {stable_mosaic.version = 14 : i64} {
  func.func @sc_gather(%arg0: i32, %arg1: i32, %arg2: memref<65536xf32, #tpu.memory_space<hbm>>, %arg3: memref<65536xf32, #tpu.memory_space<hbm>>, %arg4: memref<204800xi32, #tpu.memory_space<hbm>>, %arg5: memref<2x204800xf32, #tpu.memory_space<hbm>>, %arg6: memref<65536xf32, #tpu.memory_space<vmem>>, %arg7: memref<12800xi32, #tpu.memory_space<vmem>>, %arg8: memref<12800xf32, #tpu.memory_space<vmem>>) attributes {dimension_semantics = [#tpu.dimension_semantics<core_parallel>, #tpu.dimension_semantics<subcore_parallel>], iteration_bounds = array<i64: 2, 16>, scalar_prefetch = 0 : i64, scratch_operands = 3 : i64, tpu.core_type = #tpu.core_type<sc_vector_subcore>, window_params = [{transform_indices = #map}, {transform_indices = #map}, {transform_indices = #map}, {transform_indices = #map1}]} {
    %mul3A = arith.constant 12800 : i32
    %mul3A_0 = arith.muli %arg1, %mul3A : i32
    %eq3A = arith.constant 0 : i32
    %eq3A_1 = arith.cmpi eq, %arg0, %eq3A : i32
    %convert_element_type3A = arith.extui %eq3A_1 : i1 to i32
    %cond3A = arith.constant 0 : i32
    %cond3A_2 = arith.cmpi ne, %convert_element_type3A, %cond3A : i32
    scf.if %cond3A_2 {
      "tpu.region"() ({
        %run_scoped3A = tpu.sem_alloc : memref<!tpu.dma_semaphore, #tpu.memory_space<semaphore_mem>>
        tpu.enqueue_dma source(%arg2 : memref<65536xf32, #tpu.memory_space<hbm>>) target(%arg6 : memref<65536xf32, #tpu.memory_space<vmem>>) target_semaphore(%run_scoped3A : memref<!tpu.dma_semaphore, #tpu.memory_space<semaphore_mem>>)
        tpu.wait_dma2 semaphore(%run_scoped3A : memref<!tpu.dma_semaphore, #tpu.memory_space<semaphore_mem>>) src(%arg2 : memref<65536xf32, #tpu.memory_space<hbm>>) dst(%arg6 : memref<65536xf32, #tpu.memory_space<vmem>>)
        tpu.yield
      }) : () -> ()
    } else {
    }
    %eq3A_3 = arith.constant 1 : i32
    %eq3A_4 = arith.cmpi eq, %arg0, %eq3A_3 : i32
    %convert_element_type3A_5 = arith.extui %eq3A_4 : i1 to i32
    %cond3A_6 = arith.constant 0 : i32
    %cond3A_7 = arith.cmpi ne, %convert_element_type3A_5, %cond3A_6 : i32
    scf.if %cond3A_7 {
      "tpu.region"() ({
        %run_scoped3A = tpu.sem_alloc : memref<!tpu.dma_semaphore, #tpu.memory_space<semaphore_mem>>
        tpu.enqueue_dma source(%arg3 : memref<65536xf32, #tpu.memory_space<hbm>>) target(%arg6 : memref<65536xf32, #tpu.memory_space<vmem>>) target_semaphore(%run_scoped3A : memref<!tpu.dma_semaphore, #tpu.memory_space<semaphore_mem>>)
        tpu.wait_dma2 semaphore(%run_scoped3A : memref<!tpu.dma_semaphore, #tpu.memory_space<semaphore_mem>>) src(%arg3 : memref<65536xf32, #tpu.memory_space<hbm>>) dst(%arg6 : memref<65536xf32, #tpu.memory_space<vmem>>)
        tpu.yield
      }) : () -> ()
    } else {
    }
    "tpu.region"() ({
      %run_scoped3A = tpu.sem_alloc : memref<!tpu.dma_semaphore, #tpu.memory_space<semaphore_mem>>
      %dma_start3A = tpu.memref_slice %arg4[%mul3A_0] : memref<204800xi32, #tpu.memory_space<hbm>> -> memref<12800xi32, #tpu.memory_space<hbm>>
      %dma_start3A_13 = tpu.memref_slice %arg4[%mul3A_0] : memref<204800xi32, #tpu.memory_space<hbm>> -> memref<12800xi32, #tpu.memory_space<hbm>>
      tpu.enqueue_dma source(%dma_start3A_13 : memref<12800xi32, #tpu.memory_space<hbm>>) target(%arg7 : memref<12800xi32, #tpu.memory_space<vmem>>) target_semaphore(%run_scoped3A : memref<!tpu.dma_semaphore, #tpu.memory_space<semaphore_mem>>)
      %dma_wait3A = tpu.memref_slice %arg4[%mul3A_0] : memref<204800xi32, #tpu.memory_space<hbm>> -> memref<12800xi32, #tpu.memory_space<hbm>>
      %dma_wait3A_14 = tpu.memref_slice %arg4[%mul3A_0] : memref<204800xi32, #tpu.memory_space<hbm>> -> memref<12800xi32, #tpu.memory_space<hbm>>
      tpu.wait_dma2 semaphore(%run_scoped3A : memref<!tpu.dma_semaphore, #tpu.memory_space<semaphore_mem>>) src(%dma_wait3A_14 : memref<12800xi32, #tpu.memory_space<hbm>>) dst(%arg7 : memref<12800xi32, #tpu.memory_space<vmem>>)
      tpu.yield
    }) : () -> ()
    %scan3A = arith.constant 0 : i32
    %scan3A_8 = arith.constant 0 : i32
    %scan3A_9 = arith.constant 50 : i32
    %scan3A_10 = arith.addi %scan3A_8, %scan3A_9 : i32
    %scan3A_11 = arith.constant 1 : i32
    scf.for %scan3A_13 = %scan3A_8 to %scan3A_10 step %scan3A_11  : i32 {
      %mul3A_14 = arith.constant 256 : i32
      %mul3A_15 = arith.muli %scan3A_13, %mul3A_14 : i32
      %add3A = arith.constant 0 : i32
      %add3A_16 = arith.addi %mul3A_15, %add3A : i32
      %get3A = arith.index_cast %add3A_16 : i32 to index
      %get3A_17 = tpu.vector_load %arg7[%get3A] {strides = array<i32>} : memref<12800xi32, #tpu.memory_space<vmem>>, vector<16xi32>,
      %gather3A = tpu.vector_load_idx %arg6[%get3A_17] : memref<65536xf32, #tpu.memory_space<vmem>>[vector<16xi32>], vector<16xf32>,
      %swap3A = arith.index_cast %add3A_16 : i32 to index
      %swap3A_18 = tpu.vector_load %arg8[%swap3A] {strides = array<i32>} : memref<12800xf32, #tpu.memory_space<vmem>>, vector<16xf32>,
      tpu.vector_store %arg8[%swap3A], %gather3A {strides = array<i32>} : memref<12800xf32, #tpu.memory_space<vmem>>, vector<16xf32>,
      %mul3A_19 = arith.constant 256 : i32
      %mul3A_20 = arith.muli %scan3A_13, %mul3A_19 : i32
      %add3A_21 = arith.constant 16 : i32
      %add3A_22 = arith.addi %mul3A_20, %add3A_21 : i32
      %get3A_23 = arith.index_cast %add3A_22 : i32 to index
      %get3A_24 = tpu.vector_load %arg7[%get3A_23] {strides = array<i32>} : memref<12800xi32, #tpu.memory_space<vmem>>, vector<16xi32>,
      %gather3A_25 = tpu.vector_load_idx %arg6[%get3A_24] : memref<65536xf32, #tpu.memory_space<vmem>>[vector<16xi32>], vector<16xf32>,
      %swap3A_26 = arith.index_cast %add3A_22 : i32 to index
      %swap3A_27 = tpu.vector_load %arg8[%swap3A_26] {strides = array<i32>} : memref<12800xf32, #tpu.memory_space<vmem>>, vector<16xf32>,
      tpu.vector_store %arg8[%swap3A_26], %gather3A_25 {strides = array<i32>} : memref<12800xf32, #tpu.memory_space<vmem>>, vector<16xf32>,
      %mul3A_28 = arith.constant 256 : i32
      %mul3A_29 = arith.muli %scan3A_13, %mul3A_28 : i32
      %add3A_30 = arith.constant 32 : i32
      %add3A_31 = arith.addi %mul3A_29, %add3A_30 : i32
      %get3A_32 = arith.index_cast %add3A_31 : i32 to index
      %get3A_33 = tpu.vector_load %arg7[%get3A_32] {strides = array<i32>} : memref<12800xi32, #tpu.memory_space<vmem>>, vector<16xi32>,
      %gather3A_34 = tpu.vector_load_idx %arg6[%get3A_33] : memref<65536xf32, #tpu.memory_space<vmem>>[vector<16xi32>], vector<16xf32>,
      %swap3A_35 = arith.index_cast %add3A_31 : i32 to index
      %swap3A_36 = tpu.vector_load %arg8[%swap3A_35] {strides = array<i32>} : memref<12800xf32, #tpu.memory_space<vmem>>, vector<16xf32>,
      tpu.vector_store %arg8[%swap3A_35], %gather3A_34 {strides = array<i32>} : memref<12800xf32, #tpu.memory_space<vmem>>, vector<16xf32>,
      %mul3A_37 = arith.constant 256 : i32
      %mul3A_38 = arith.muli %scan3A_13, %mul3A_37 : i32
      %add3A_39 = arith.constant 48 : i32
      %add3A_40 = arith.addi %mul3A_38, %add3A_39 : i32
      %get3A_41 = arith.index_cast %add3A_40 : i32 to index
      %get3A_42 = tpu.vector_load %arg7[%get3A_41] {strides = array<i32>} : memref<12800xi32, #tpu.memory_space<vmem>>, vector<16xi32>,
      %gather3A_43 = tpu.vector_load_idx %arg6[%get3A_42] : memref<65536xf32, #tpu.memory_space<vmem>>[vector<16xi32>], vector<16xf32>,
      %swap3A_44 = arith.index_cast %add3A_40 : i32 to index
      %swap3A_45 = tpu.vector_load %arg8[%swap3A_44] {strides = array<i32>} : memref<12800xf32, #tpu.memory_space<vmem>>, vector<16xf32>,
      tpu.vector_store %arg8[%swap3A_44], %gather3A_43 {strides = array<i32>} : memref<12800xf32, #tpu.memory_space<vmem>>, vector<16xf32>,
      %mul3A_46 = arith.constant 256 : i32
      %mul3A_47 = arith.muli %scan3A_13, %mul3A_46 : i32
      %add3A_48 = arith.constant 64 : i32
      %add3A_49 = arith.addi %mul3A_47, %add3A_48 : i32
      %get3A_50 = arith.index_cast %add3A_49 : i32 to index
      %get3A_51 = tpu.vector_load %arg7[%get3A_50] {strides = array<i32>} : memref<12800xi32, #tpu.memory_space<vmem>>, vector<16xi32>,
      %gather3A_52 = tpu.vector_load_idx %arg6[%get3A_51] : memref<65536xf32, #tpu.memory_space<vmem>>[vector<16xi32>], vector<16xf32>,
      %swap3A_53 = arith.index_cast %add3A_49 : i32 to index
      %swap3A_54 = tpu.vector_load %arg8[%swap3A_53] {strides = array<i32>} : memref<12800xf32, #tpu.memory_space<vmem>>, vector<16xf32>,
      tpu.vector_store %arg8[%swap3A_53], %gather3A_52 {strides = array<i32>} : memref<12800xf32, #tpu.memory_space<vmem>>, vector<16xf32>,
      %mul3A_55 = arith.constant 256 : i32
      %mul3A_56 = arith.muli %scan3A_13, %mul3A_55 : i32
      %add3A_57 = arith.constant 80 : i32
      %add3A_58 = arith.addi %mul3A_56, %add3A_57 : i32
      %get3A_59 = arith.index_cast %add3A_58 : i32 to index
      %get3A_60 = tpu.vector_load %arg7[%get3A_59] {strides = array<i32>} : memref<12800xi32, #tpu.memory_space<vmem>>, vector<16xi32>,
      %gather3A_61 = tpu.vector_load_idx %arg6[%get3A_60] : memref<65536xf32, #tpu.memory_space<vmem>>[vector<16xi32>], vector<16xf32>,
      %swap3A_62 = arith.index_cast %add3A_58 : i32 to index
      %swap3A_63 = tpu.vector_load %arg8[%swap3A_62] {strides = array<i32>} : memref<12800xf32, #tpu.memory_space<vmem>>, vector<16xf32>,
      tpu.vector_store %arg8[%swap3A_62], %gather3A_61 {strides = array<i32>} : memref<12800xf32, #tpu.memory_space<vmem>>, vector<16xf32>,
      %mul3A_64 = arith.constant 256 : i32
      %mul3A_65 = arith.muli %scan3A_13, %mul3A_64 : i32
      %add3A_66 = arith.constant 96 : i32
      %add3A_67 = arith.addi %mul3A_65, %add3A_66 : i32
      %get3A_68 = arith.index_cast %add3A_67 : i32 to index
      %get3A_69 = tpu.vector_load %arg7[%get3A_68] {strides = array<i32>} : memref<12800xi32, #tpu.memory_space<vmem>>, vector<16xi32>,
      %gather3A_70 = tpu.vector_load_idx %arg6[%get3A_69] : memref<65536xf32, #tpu.memory_space<vmem>>[vector<16xi32>], vector<16xf32>,
      %swap3A_71 = arith.index_cast %add3A_67 : i32 to index
      %swap3A_72 = tpu.vector_load %arg8[%swap3A_71] {strides = array<i32>} : memref<12800xf32, #tpu.memory_space<vmem>>, vector<16xf32>,
      tpu.vector_store %arg8[%swap3A_71], %gather3A_70 {strides = array<i32>} : memref<12800xf32, #tpu.memory_space<vmem>>, vector<16xf32>,
      %mul3A_73 = arith.constant 256 : i32
      %mul3A_74 = arith.muli %scan3A_13, %mul3A_73 : i32
      %add3A_75 = arith.constant 112 : i32
      %add3A_76 = arith.addi %mul3A_74, %add3A_75 : i32
      %get3A_77 = arith.index_cast %add3A_76 : i32 to index
      %get3A_78 = tpu.vector_load %arg7[%get3A_77] {strides = array<i32>} : memref<12800xi32, #tpu.memory_space<vmem>>, vector<16xi32>,
      %gather3A_79 = tpu.vector_load_idx %arg6[%get3A_78] : memref<65536xf32, #tpu.memory_space<vmem>>[vector<16xi32>], vector<16xf32>,
      %swap3A_80 = arith.index_cast %add3A_76 : i32 to index
      %swap3A_81 = tpu.vector_load %arg8[%swap3A_80] {strides = array<i32>} : memref<12800xf32, #tpu.memory_space<vmem>>, vector<16xf32>,
      tpu.vector_store %arg8[%swap3A_80], %gather3A_79 {strides = array<i32>} : memref<12800xf32, #tpu.memory_space<vmem>>, vector<16xf32>,
      %mul3A_82 = arith.constant 256 : i32
      %mul3A_83 = arith.muli %scan3A_13, %mul3A_82 : i32
      %add3A_84 = arith.constant 128 : i32
      %add3A_85 = arith.addi %mul3A_83, %add3A_84 : i32
      %get3A_86 = arith.index_cast %add3A_85 : i32 to index
      %get3A_87 = tpu.vector_load %arg7[%get3A_86] {strides = array<i32>} : memref<12800xi32, #tpu.memory_space<vmem>>, vector<16xi32>,
      %gather3A_88 = tpu.vector_load_idx %arg6[%get3A_87] : memref<65536xf32, #tpu.memory_space<vmem>>[vector<16xi32>], vector<16xf32>,
      %swap3A_89 = arith.index_cast %add3A_85 : i32 to index
      %swap3A_90 = tpu.vector_load %arg8[%swap3A_89] {strides = array<i32>} : memref<12800xf32, #tpu.memory_space<vmem>>, vector<16xf32>,
      tpu.vector_store %arg8[%swap3A_89], %gather3A_88 {strides = array<i32>} : memref<12800xf32, #tpu.memory_space<vmem>>, vector<16xf32>,
      %mul3A_91 = arith.constant 256 : i32
      %mul3A_92 = arith.muli %scan3A_13, %mul3A_91 : i32
      %add3A_93 = arith.constant 144 : i32
      %add3A_94 = arith.addi %mul3A_92, %add3A_93 : i32
      %get3A_95 = arith.index_cast %add3A_94 : i32 to index
      %get3A_96 = tpu.vector_load %arg7[%get3A_95] {strides = array<i32>} : memref<12800xi32, #tpu.memory_space<vmem>>, vector<16xi32>,
      %gather3A_97 = tpu.vector_load_idx %arg6[%get3A_96] : memref<65536xf32, #tpu.memory_space<vmem>>[vector<16xi32>], vector<16xf32>,
      %swap3A_98 = arith.index_cast %add3A_94 : i32 to index
      %swap3A_99 = tpu.vector_load %arg8[%swap3A_98] {strides = array<i32>} : memref<12800xf32, #tpu.memory_space<vmem>>, vector<16xf32>,
      tpu.vector_store %arg8[%swap3A_98], %gather3A_97 {strides = array<i32>} : memref<12800xf32, #tpu.memory_space<vmem>>, vector<16xf32>,
      %mul3A_100 = arith.constant 256 : i32
      %mul3A_101 = arith.muli %scan3A_13, %mul3A_100 : i32
      %add3A_102 = arith.constant 160 : i32
      %add3A_103 = arith.addi %mul3A_101, %add3A_102 : i32
      %get3A_104 = arith.index_cast %add3A_103 : i32 to index
      %get3A_105 = tpu.vector_load %arg7[%get3A_104] {strides = array<i32>} : memref<12800xi32, #tpu.memory_space<vmem>>, vector<16xi32>,
      %gather3A_106 = tpu.vector_load_idx %arg6[%get3A_105] : memref<65536xf32, #tpu.memory_space<vmem>>[vector<16xi32>], vector<16xf32>,
      %swap3A_107 = arith.index_cast %add3A_103 : i32 to index
      %swap3A_108 = tpu.vector_load %arg8[%swap3A_107] {strides = array<i32>} : memref<12800xf32, #tpu.memory_space<vmem>>, vector<16xf32>,
      tpu.vector_store %arg8[%swap3A_107], %gather3A_106 {strides = array<i32>} : memref<12800xf32, #tpu.memory_space<vmem>>, vector<16xf32>,
      %mul3A_109 = arith.constant 256 : i32
      %mul3A_110 = arith.muli %scan3A_13, %mul3A_109 : i32
      %add3A_111 = arith.constant 176 : i32
      %add3A_112 = arith.addi %mul3A_110, %add3A_111 : i32
      %get3A_113 = arith.index_cast %add3A_112 : i32 to index
      %get3A_114 = tpu.vector_load %arg7[%get3A_113] {strides = array<i32>} : memref<12800xi32, #tpu.memory_space<vmem>>, vector<16xi32>,
      %gather3A_115 = tpu.vector_load_idx %arg6[%get3A_114] : memref<65536xf32, #tpu.memory_space<vmem>>[vector<16xi32>], vector<16xf32>,
      %swap3A_116 = arith.index_cast %add3A_112 : i32 to index
      %swap3A_117 = tpu.vector_load %arg8[%swap3A_116] {strides = array<i32>} : memref<12800xf32, #tpu.memory_space<vmem>>, vector<16xf32>,
      tpu.vector_store %arg8[%swap3A_116], %gather3A_115 {strides = array<i32>} : memref<12800xf32, #tpu.memory_space<vmem>>, vector<16xf32>,
      %mul3A_118 = arith.constant 256 : i32
      %mul3A_119 = arith.muli %scan3A_13, %mul3A_118 : i32
      %add3A_120 = arith.constant 192 : i32
      %add3A_121 = arith.addi %mul3A_119, %add3A_120 : i32
      %get3A_122 = arith.index_cast %add3A_121 : i32 to index
      %get3A_123 = tpu.vector_load %arg7[%get3A_122] {strides = array<i32>} : memref<12800xi32, #tpu.memory_space<vmem>>, vector<16xi32>,
      %gather3A_124 = tpu.vector_load_idx %arg6[%get3A_123] : memref<65536xf32, #tpu.memory_space<vmem>>[vector<16xi32>], vector<16xf32>,
      %swap3A_125 = arith.index_cast %add3A_121 : i32 to index
      %swap3A_126 = tpu.vector_load %arg8[%swap3A_125] {strides = array<i32>} : memref<12800xf32, #tpu.memory_space<vmem>>, vector<16xf32>,
      tpu.vector_store %arg8[%swap3A_125], %gather3A_124 {strides = array<i32>} : memref<12800xf32, #tpu.memory_space<vmem>>, vector<16xf32>,
      %mul3A_127 = arith.constant 256 : i32
      %mul3A_128 = arith.muli %scan3A_13, %mul3A_127 : i32
      %add3A_129 = arith.constant 208 : i32
      %add3A_130 = arith.addi %mul3A_128, %add3A_129 : i32
      %get3A_131 = arith.index_cast %add3A_130 : i32 to index
      %get3A_132 = tpu.vector_load %arg7[%get3A_131] {strides = array<i32>} : memref<12800xi32, #tpu.memory_space<vmem>>, vector<16xi32>,
      %gather3A_133 = tpu.vector_load_idx %arg6[%get3A_132] : memref<65536xf32, #tpu.memory_space<vmem>>[vector<16xi32>], vector<16xf32>,
      %swap3A_134 = arith.index_cast %add3A_130 : i32 to index
      %swap3A_135 = tpu.vector_load %arg8[%swap3A_134] {strides = array<i32>} : memref<12800xf32, #tpu.memory_space<vmem>>, vector<16xf32>,
      tpu.vector_store %arg8[%swap3A_134], %gather3A_133 {strides = array<i32>} : memref<12800xf32, #tpu.memory_space<vmem>>, vector<16xf32>,
      %mul3A_136 = arith.constant 256 : i32
      %mul3A_137 = arith.muli %scan3A_13, %mul3A_136 : i32
      %add3A_138 = arith.constant 224 : i32
      %add3A_139 = arith.addi %mul3A_137, %add3A_138 : i32
      %get3A_140 = arith.index_cast %add3A_139 : i32 to index
      %get3A_141 = tpu.vector_load %arg7[%get3A_140] {strides = array<i32>} : memref<12800xi32, #tpu.memory_space<vmem>>, vector<16xi32>,
      %gather3A_142 = tpu.vector_load_idx %arg6[%get3A_141] : memref<65536xf32, #tpu.memory_space<vmem>>[vector<16xi32>], vector<16xf32>,
      %swap3A_143 = arith.index_cast %add3A_139 : i32 to index
      %swap3A_144 = tpu.vector_load %arg8[%swap3A_143] {strides = array<i32>} : memref<12800xf32, #tpu.memory_space<vmem>>, vector<16xf32>,
      tpu.vector_store %arg8[%swap3A_143], %gather3A_142 {strides = array<i32>} : memref<12800xf32, #tpu.memory_space<vmem>>, vector<16xf32>,
      %mul3A_145 = arith.constant 256 : i32
      %mul3A_146 = arith.muli %scan3A_13, %mul3A_145 : i32
      %add3A_147 = arith.constant 240 : i32
      %add3A_148 = arith.addi %mul3A_146, %add3A_147 : i32
      %get3A_149 = arith.index_cast %add3A_148 : i32 to index
      %get3A_150 = tpu.vector_load %arg7[%get3A_149] {strides = array<i32>} : memref<12800xi32, #tpu.memory_space<vmem>>, vector<16xi32>,
      %gather3A_151 = tpu.vector_load_idx %arg6[%get3A_150] : memref<65536xf32, #tpu.memory_space<vmem>>[vector<16xi32>], vector<16xf32>,
      %swap3A_152 = arith.index_cast %add3A_148 : i32 to index
      %swap3A_153 = tpu.vector_load %arg8[%swap3A_152] {strides = array<i32>} : memref<12800xf32, #tpu.memory_space<vmem>>, vector<16xf32>,
      tpu.vector_store %arg8[%swap3A_152], %gather3A_151 {strides = array<i32>} : memref<12800xf32, #tpu.memory_space<vmem>>, vector<16xf32>,
    }
    %scan3A_12 = arith.constant 50 : i32
    "tpu.region"() ({
      %run_scoped3A = tpu.sem_alloc : memref<!tpu.dma_semaphore, #tpu.memory_space<semaphore_mem>>
      %dma_start3A = tpu.memref_slice %arg5[%arg0, %mul3A_0] : memref<2x204800xf32, #tpu.memory_space<hbm>> -> memref<1x12800xf32, #tpu.memory_space<hbm>>
      %dma_start3A_13 = tpu.memref_squeeze %dma_start3A : memref<1x12800xf32, #tpu.memory_space<hbm>> -> memref<12800xf32, #tpu.memory_space<hbm>>
      %dma_start3A_14 = tpu.memref_slice %arg5[%arg0, %mul3A_0] : memref<2x204800xf32, #tpu.memory_space<hbm>> -> memref<1x12800xf32, #tpu.memory_space<hbm>>
      %dma_start3A_15 = tpu.memref_squeeze %dma_start3A_14 : memref<1x12800xf32, #tpu.memory_space<hbm>> -> memref<12800xf32, #tpu.memory_space<hbm>>
      tpu.enqueue_dma source(%arg8 : memref<12800xf32, #tpu.memory_space<vmem>>) target(%dma_start3A_15 : memref<12800xf32, #tpu.memory_space<hbm>>) target_semaphore(%run_scoped3A : memref<!tpu.dma_semaphore, #tpu.memory_space<semaphore_mem>>)
      %dma_wait3A = tpu.memref_slice %arg5[%arg0, %mul3A_0] : memref<2x204800xf32, #tpu.memory_space<hbm>> -> memref<1x12800xf32, #tpu.memory_space<hbm>>
      %dma_wait3A_16 = tpu.memref_squeeze %dma_wait3A : memref<1x12800xf32, #tpu.memory_space<hbm>> -> memref<12800xf32, #tpu.memory_space<hbm>>
      %dma_wait3A_17 = tpu.memref_slice %arg5[%arg0, %mul3A_0] : memref<2x204800xf32, #tpu.memory_space<hbm>> -> memref<1x12800xf32, #tpu.memory_space<hbm>>
      %dma_wait3A_18 = tpu.memref_squeeze %dma_wait3A_17 : memref<1x12800xf32, #tpu.memory_space<hbm>> -> memref<12800xf32, #tpu.memory_space<hbm>>
      tpu.wait_dma2 semaphore(%run_scoped3A : memref<!tpu.dma_semaphore, #tpu.memory_space<semaphore_mem>>) src(%arg8 : memref<12800xf32, #tpu.memory_space<vmem>>) dst(%dma_wait3A_18 : memref<12800xf32, #tpu.memory_space<hbm>>)
      tpu.yield
    }) : () -> ()
    return
  }
}

module attributes {stable_mosaic.version = 14 : i64} {
  func.func @_tables_body(%arg0: i32, %arg1: memref<64x256xf32, #tpu.memory_space<vmem>>, %arg2: memref<64x64xf32, #tpu.memory_space<vmem>>, %arg3: memref<64x1xf32, #tpu.memory_space<vmem>>, %arg4: memref<64x1xf32, #tpu.memory_space<vmem>>, %arg5: memref<50x512xi32, #tpu.memory_space<vmem>>, %arg6: memref<1x512xi32, #tpu.memory_space<vmem>>, %arg7: memref<32x256xf32, #tpu.memory_space<vmem>>, %arg8: memref<32x256xf32, #tpu.memory_space<vmem>>, %arg9: memref<50x512xi32, #tpu.memory_space<vmem>>, %arg10: memref<1x1xf32, #tpu.memory_space<smem>>, %arg11: memref<256x64xf32, #tpu.memory_space<vmem>>, %arg12: memref<64x256xf32, #tpu.memory_space<vmem>>, %arg13: memref<256x256xf32, #tpu.memory_space<vmem>>) attributes {dimension_semantics = [#tpu.dimension_semantics<arbitrary>], iteration_bounds = array<i64: 8>, scalar_prefetch = 0 : i64, scratch_operands = 3 : i64, tpu.core_type = #tpu.core_type<tc>, window_params = [{pipeline_mode = #tpu.pipeline_mode<synchronous>, transform_indices = @transform_0, window_bounds = array<i64: 64, 256>}, {pipeline_mode = #tpu.pipeline_mode<synchronous>, transform_indices = @transform_1, window_bounds = array<i64: 64, 64>}, {pipeline_mode = #tpu.pipeline_mode<synchronous>, transform_indices = @transform_2, window_bounds = array<i64: 64, 1>}, {pipeline_mode = #tpu.pipeline_mode<synchronous>, transform_indices = @transform_3, window_bounds = array<i64: 64, 1>}, {transform_indices = @transform_4, window_bounds = array<i64: 50, 512>}, {transform_indices = @transform_5, window_bounds = array<i64: 1, 512>}, {transform_indices = @transform_6, window_bounds = array<i64: 32, 256>}, {transform_indices = @transform_7, window_bounds = array<i64: 32, 256>}, {transform_indices = @transform_8, window_bounds = array<i64: 50, 512>}, {transform_indices = @transform_9, window_bounds = array<i64: 1, 1>}]} {
    %eq3A = arith.constant 0 : i32
    %eq3A_0 = arith.cmpi eq, %arg0, %eq3A : i32
    %convert_element_type3A = arith.extui %eq3A_0 : i1 to i32
    %cond3A = arith.constant 0 : i32
    %cond3A_1 = arith.cmpi ne, %convert_element_type3A, %cond3A : i32
    scf.if %cond3A_1 {
      %get3A_57 = arith.constant 0 : index
      %get3A_58 = arith.constant 0 : index
      %get3A_59 = vector.load %arg1[%get3A_57, %get3A_58] : memref<64x256xf32, #tpu.memory_space<vmem>>, vector<64x256xf32>
      %get3A_60 = arith.constant 0 : index
      %get3A_61 = arith.constant 0 : index
      %get3A_62 = vector.load %arg2[%get3A_60, %get3A_61] : memref<64x64xf32, #tpu.memory_space<vmem>>, vector<64x64xf32>
      %dot_general3A = arith.constant dense<0.000000e+00> : vector<256x64xf32>
      %dot_general3A_63 = tpu.matmul %get3A_59, %get3A_62, %dot_general3A {dimension_numbers = #tpu.dot_dimension_numbers<[0], [0], [1], [1], [0, 1, 1, 1], [], []>, precision = #tpu.contract_precision<fp32>, transpose_lhs_hint = false} : vector<64x256xf32>, vector<64x64xf32>, vector<256x64xf32> -> vector<256x64xf32>
      %swap3A_64 = arith.constant 0 : index
      %swap3A_65 = arith.constant 0 : index
      %swap3A_66 = vector.load %arg11[%swap3A_64, %swap3A_65] : memref<256x64xf32, #tpu.memory_space<vmem>>, vector<256x64xf32>
      tpu.vector_store %arg11[%swap3A_64, %swap3A_65], %dot_general3A_63 {strides = array<i32>} : memref<256x64xf32, #tpu.memory_space<vmem>>, vector<256x64xf32>,
      %dot_general3A_67 = arith.constant dense<0.000000e+00> : vector<64x256xf32>
      %dot_general3A_68 = tpu.matmul %get3A_62, %get3A_59, %dot_general3A_67 {dimension_numbers = #tpu.dot_dimension_numbers<[0], [0], [1], [1], [0, 1, 1, 1], [], []>, precision = #tpu.contract_precision<fp32>, transpose_lhs_hint = false} : vector<64x64xf32>, vector<64x256xf32>, vector<64x256xf32> -> vector<64x256xf32>
      %swap3A_69 = arith.constant 0 : index
      %swap3A_70 = arith.constant 0 : index
      %swap3A_71 = vector.load %arg12[%swap3A_69, %swap3A_70] : memref<64x256xf32, #tpu.memory_space<vmem>>, vector<64x256xf32>
      tpu.vector_store %arg12[%swap3A_69, %swap3A_70], %dot_general3A_68 {strides = array<i32>} : memref<64x256xf32, #tpu.memory_space<vmem>>, vector<64x256xf32>,
      %dot_general3A_72 = arith.constant dense<0.000000e+00> : vector<256x256xf32>
      %dot_general3A_73 = tpu.matmul %get3A_59, %get3A_59, %dot_general3A_72 {dimension_numbers = #tpu.dot_dimension_numbers<[0], [0], [1], [1], [0, 1, 1, 1], [], []>, precision = #tpu.contract_precision<fp32>, transpose_lhs_hint = false} : vector<64x256xf32>, vector<64x256xf32>, vector<256x256xf32> -> vector<256x256xf32>
      %swap3A_74 = arith.constant 0 : index
      %swap3A_75 = arith.constant 0 : index
      %swap3A_76 = vector.load %arg13[%swap3A_74, %swap3A_75] : memref<256x256xf32, #tpu.memory_space<vmem>>, vector<256x256xf32>
      tpu.vector_store %arg13[%swap3A_74, %swap3A_75], %dot_general3A_73 {strides = array<i32>} : memref<256x256xf32, #tpu.memory_space<vmem>>, vector<256x256xf32>,
      %mul3A_77 = arith.mulf %get3A_62, %get3A_62 : vector<64x64xf32>
      %reduce_sum3A_78 = vector.shape_cast %mul3A_77 : vector<64x64xf32> to vector<1x64x64xf32>
      %reduce_sum3A_79 = arith.constant dense<0.000000e+00> : vector<1xf32>
      %reduce_sum3A_80 = vector.multi_reduction <add>, %reduce_sum3A_78, %reduce_sum3A_79 [1, 2] : vector<1x64x64xf32> to vector<1xf32>
      %reduce_sum3A_81 = vector.shape_cast %reduce_sum3A_80 : vector<1xf32> to vector<1x1x1xf32>
      %reduce_sum3A_82 = vector.extract %reduce_sum3A_81[0, 0, 0] : f32 from vector<1x1x1xf32>
      %swap3A_83 = arith.constant 0 : index
      %swap3A_84 = arith.constant 0 : index
      %swap3A_85 = memref.load %arg10[%swap3A_83, %swap3A_84] : memref<1x1xf32, #tpu.memory_space<smem>>
      memref.store %reduce_sum3A_82, %arg10[%swap3A_83, %swap3A_84] : memref<1x1xf32, #tpu.memory_space<smem>>
    } else {
    }
    %mul3A = arith.constant 32 : i32
    %mul3A_2 = arith.muli %arg0, %mul3A : i32
    %get3A = arith.index_cast %mul3A_2 : i32 to index
    %get3A_3 = arith.constant 0 : index
    %get3A_4 = vector.load %arg11[%get3A, %get3A_3] : memref<256x64xf32, #tpu.memory_space<vmem>>, vector<32x64xf32>
    %get3A_5 = arith.constant 0 : index
    %get3A_6 = arith.constant 0 : index
    %get3A_7 = vector.load %arg12[%get3A_5, %get3A_6] : memref<64x256xf32, #tpu.memory_space<vmem>>, vector<64x256xf32>
    %mul3A_8 = arith.constant 32 : i32
    %mul3A_9 = arith.muli %arg0, %mul3A_8 : i32
    %get3A_10 = arith.index_cast %mul3A_9 : i32 to index
    %get3A_11 = arith.constant 0 : index
    %get3A_12 = vector.load %arg13[%get3A_10, %get3A_11] : memref<256x256xf32, #tpu.memory_space<vmem>>, vector<32x256xf32>
    %broadcast_in_dim3A = vector.shape_cast %get3A_4 : vector<32x64xf32> to vector<32x64x1xf32>
    %broadcast_in_dim3A_13 = vector.shape_cast %get3A_7 : vector<64x256xf32> to vector<1x64x256xf32>
    %add3A = vector.broadcast %broadcast_in_dim3A : vector<32x64x1xf32> to vector<32x64x256xf32>
    %add3A_14 = vector.broadcast %broadcast_in_dim3A_13 : vector<1x64x256xf32> to vector<32x64x256xf32>
    %add3A_15 = arith.addf %add3A, %add3A_14 : vector<32x64x256xf32>
    %get3A_16 = arith.constant 0 : index
    %get3A_17 = arith.constant 0 : index
    %get3A_18 = vector.load %arg3[%get3A_16, %get3A_17] : memref<64x1xf32, #tpu.memory_space<vmem>>, vector<64x1xf32>
    %broadcast_in_dim3A_19 = vector.shape_cast %get3A_18 : vector<64x1xf32> to vector<1x64x1xf32>
    %add3A_20 = vector.broadcast %broadcast_in_dim3A_19 : vector<1x64x1xf32> to vector<32x64x256xf32>
    %add3A_21 = arith.addf %add3A_15, %add3A_20 : vector<32x64x256xf32>
    %neg3A = arith.constant 0.000000e+00 : f32
    %neg3A_22 = vector.broadcast %neg3A : f32 to vector<32x64x256xf32>
    %neg3A_23 = arith.subf %neg3A_22, %add3A_21 : vector<32x64x256xf32>
    %exp3A = math.exp %neg3A_23 : vector<32x64x256xf32>
    %add3A_24 = arith.constant 1.000000e+00 : f32
    %add3A_25 = vector.broadcast %add3A_24 : f32 to vector<32x64x256xf32>
    %add3A_26 = arith.addf %add3A_25, %exp3A : vector<32x64x256xf32>
    %div3A = arith.constant 1.000000e+00 : f32
    %div3A_27 = vector.broadcast %div3A : f32 to vector<32x64x256xf32>
    %div3A_28 = arith.divf %div3A_27, %add3A_26 : vector<32x64x256xf32>
    %get3A_29 = arith.constant 0 : index
    %get3A_30 = arith.constant 0 : index
    %get3A_31 = vector.load %arg4[%get3A_29, %get3A_30] : memref<64x1xf32, #tpu.memory_space<vmem>>, vector<64x1xf32>
    %broadcast_in_dim3A_32 = vector.shape_cast %get3A_31 : vector<64x1xf32> to vector<1x64x1xf32>
    %mul3A_33 = vector.broadcast %broadcast_in_dim3A_32 : vector<1x64x1xf32> to vector<32x64x256xf32>
    %mul3A_34 = arith.mulf %div3A_28, %mul3A_33 : vector<32x64x256xf32>
    %reduce_sum3A = arith.constant dense<0.000000e+00> : vector<32x256xf32>
    %reduce_sum3A_35 = vector.multi_reduction <add>, %mul3A_34, %reduce_sum3A [1] : vector<32x64x256xf32> to vector<32x256xf32>
    %exp3A_36 = math.exp %reduce_sum3A_35 : vector<32x256xf32>
    %swap3A = arith.constant 0 : index
    %swap3A_37 = arith.constant 0 : index
    %swap3A_38 = vector.load %arg7[%swap3A, %swap3A_37] : memref<32x256xf32, #tpu.memory_space<vmem>>, vector<32x256xf32>
    tpu.vector_store %arg7[%swap3A, %swap3A_37], %exp3A_36 {strides = array<i32>} : memref<32x256xf32, #tpu.memory_space<vmem>>, vector<32x256xf32>,
    %mul3A_39 = arith.mulf %exp3A_36, %get3A_12 : vector<32x256xf32>
    %swap3A_40 = arith.constant 0 : index
    %swap3A_41 = arith.constant 0 : index
    %swap3A_42 = vector.load %arg8[%swap3A_40, %swap3A_41] : memref<32x256xf32, #tpu.memory_space<vmem>>, vector<32x256xf32>
    tpu.vector_store %arg8[%swap3A_40, %swap3A_41], %mul3A_39 {strides = array<i32>} : memref<32x256xf32, #tpu.memory_space<vmem>>, vector<32x256xf32>,
    %get3A_43 = arith.constant 0 : index
    %get3A_44 = arith.constant 0 : index
    %get3A_45 = vector.load %arg5[%get3A_43, %get3A_44] : memref<50x512xi32, #tpu.memory_space<vmem>>, vector<50x512xi32>
    %mul3A_46 = arith.constant 256 : i32
    %mul3A_47 = vector.broadcast %mul3A_46 : i32 to vector<50x512xi32>
    %mul3A_48 = arith.muli %get3A_45, %mul3A_47 : vector<50x512xi32>
    %get3A_49 = arith.constant 0 : index
    %get3A_50 = arith.constant 0 : index
    %get3A_51 = vector.load %arg6[%get3A_49, %get3A_50] : memref<1x512xi32, #tpu.memory_space<vmem>>, vector<1x512xi32>
    %add3A_52 = vector.broadcast %get3A_51 : vector<1x512xi32> to vector<50x512xi32>
    %add3A_53 = arith.addi %mul3A_48, %add3A_52 : vector<50x512xi32>
    %swap3A_54 = arith.constant 0 : index
    %swap3A_55 = arith.constant 0 : index
    %swap3A_56 = vector.load %arg9[%swap3A_54, %swap3A_55] : memref<50x512xi32, #tpu.memory_space<vmem>>, vector<50x512xi32>
    tpu.vector_store %arg9[%swap3A_54, %swap3A_55], %add3A_53 {strides = array<i32>} : memref<50x512xi32, #tpu.memory_space<vmem>>, vector<50x512xi32>,
    return
  }
  func.func @transform_0(%arg0: i32) -> (i32, i32) {
    %c0_i32 = arith.constant 0 : i32
    %c0_i32_0 = arith.constant 0 : i32
    %c0_i32_1 = arith.constant 0 : i32
    return %c0_i32, %c0_i32_0 : i32, i32
  }
  func.func @transform_1(%arg0: i32) -> (i32, i32) {
    %c0_i32 = arith.constant 0 : i32
    %c0_i32_0 = arith.constant 0 : i32
    %c0_i32_1 = arith.constant 0 : i32
    return %c0_i32, %c0_i32_0 : i32, i32
  }
  func.func @transform_2(%arg0: i32) -> (i32, i32) {
    %c0_i32 = arith.constant 0 : i32
    %c0_i32_0 = arith.constant 0 : i32
    %c0_i32_1 = arith.constant 0 : i32
    return %c0_i32, %c0_i32_0 : i32, i32
  }
  func.func @transform_3(%arg0: i32) -> (i32, i32) {
    %c0_i32 = arith.constant 0 : i32
    %c0_i32_0 = arith.constant 0 : i32
    %c0_i32_1 = arith.constant 0 : i32
    return %c0_i32, %c0_i32_0 : i32, i32
  }
  func.func @transform_4(%arg0: i32) -> (i32, i32) {
    %c0_i32 = arith.constant 0 : i32
    %c0_i32_0 = arith.constant 0 : i32
    return %c0_i32, %arg0 : i32, i32
  }
  func.func @transform_5(%arg0: i32) -> (i32, i32) {
    %c0_i32 = arith.constant 0 : i32
    %c0_i32_0 = arith.constant 0 : i32
    return %c0_i32, %arg0 : i32, i32
  }
  func.func @transform_6(%arg0: i32) -> (i32, i32) {
    %c0_i32 = arith.constant 0 : i32
    %c0_i32_0 = arith.constant 0 : i32
    return %arg0, %c0_i32 : i32, i32
  }
  func.func @transform_7(%arg0: i32) -> (i32, i32) {
    %c0_i32 = arith.constant 0 : i32
    %c0_i32_0 = arith.constant 0 : i32
    return %arg0, %c0_i32 : i32, i32
  }
  func.func @transform_8(%arg0: i32) -> (i32, i32) {
    %c0_i32 = arith.constant 0 : i32
    %c0_i32_0 = arith.constant 0 : i32
    return %c0_i32, %arg0 : i32, i32
  }
  func.func @transform_9(%arg0: i32) -> (i32, i32) {
    %c0_i32 = arith.constant 0 : i32
    %c0_i32_0 = arith.constant 0 : i32
    %c0_i32_1 = arith.constant 0 : i32
    return %c0_i32, %c0_i32_0 : i32, i32
  }
}

module attributes {stable_mosaic.version = 14 : i64} {
  func.func @_norm_body(%arg0: i32, %arg1: memref<64x12800xf32, #tpu.memory_space<vmem>>, %arg2: memref<64x12800xf32, #tpu.memory_space<vmem>>, %arg3: memref<1x1xf32, #tpu.memory_space<smem>>, %arg4: memref<1x1xf32, #tpu.memory_space<smem>>) attributes {dimension_semantics = [#tpu.dimension_semantics<arbitrary>], iteration_bounds = array<i64: 8>, scalar_prefetch = 0 : i64, scratch_operands = 0 : i64, tpu.core_type = #tpu.core_type<tc>, window_params = [{transform_indices = @transform_0, window_bounds = array<i64: 64, 12800>}, {transform_indices = @transform_1, window_bounds = array<i64: 64, 12800>}, {transform_indices = @transform_2, window_bounds = array<i64: 1, 1>}, {transform_indices = @transform_3, window_bounds = array<i64: 1, 1>}]} {
    %eq3A = arith.constant 0 : i32
    %eq3A_0 = arith.cmpi eq, %arg0, %eq3A : i32
    %convert_element_type3A = arith.extui %eq3A_0 : i1 to i32
    %cond3A = arith.constant 0 : i32
    %cond3A_1 = arith.cmpi ne, %convert_element_type3A, %cond3A : i32
    scf.if %cond3A_1 {
      %swap3A = arith.constant 0.000000e+00 : f32
      %swap3A_11 = arith.constant 0 : index
      %swap3A_12 = arith.constant 0 : index
      %swap3A_13 = memref.load %arg3[%swap3A_11, %swap3A_12] : memref<1x1xf32, #tpu.memory_space<smem>>
      memref.store %swap3A, %arg3[%swap3A_11, %swap3A_12] : memref<1x1xf32, #tpu.memory_space<smem>>
      %swap3A_14 = arith.constant 0.000000e+00 : f32
      %swap3A_15 = arith.constant 0 : index
      %swap3A_16 = arith.constant 0 : index
      %swap3A_17 = memref.load %arg4[%swap3A_15, %swap3A_16] : memref<1x1xf32, #tpu.memory_space<smem>>
      memref.store %swap3A_14, %arg4[%swap3A_15, %swap3A_16] : memref<1x1xf32, #tpu.memory_space<smem>>
    } else {
    }
    %lt3A = arith.constant 7 : i32
    %lt3A_2 = arith.cmpi slt, %arg0, %lt3A : i32
    %convert_element_type3A_3 = arith.extui %lt3A_2 : i1 to i32
    %cond3A_4 = arith.constant 0 : i32
    %cond3A_5 = arith.cmpi ne, %convert_element_type3A_3, %cond3A_4 : i32
    scf.if %cond3A_5 {
      %get3A = arith.constant 0 : index
      %get3A_11 = arith.constant 0 : index
      %get3A_12 = vector.load %arg1[%get3A, %get3A_11] : memref<64x12800xf32, #tpu.memory_space<vmem>>, vector<64x12800xf32>
      %get3A_13 = arith.constant 0 : index
      %get3A_14 = arith.constant 0 : index
      %get3A_15 = vector.load %arg2[%get3A_13, %get3A_14] : memref<64x12800xf32, #tpu.memory_space<vmem>>, vector<64x12800xf32>
      %get3A_16 = arith.constant 0 : index
      %get3A_17 = arith.constant 0 : index
      %get3A_18 = memref.load %arg3[%get3A_16, %get3A_17] : memref<1x1xf32, #tpu.memory_space<smem>>
      %mul3A = arith.mulf %get3A_12, %get3A_12 : vector<64x12800xf32>
      %reduce_sum3A = vector.shape_cast %mul3A : vector<64x12800xf32> to vector<1x64x12800xf32>
      %reduce_sum3A_19 = arith.constant dense<0.000000e+00> : vector<1xf32>
      %reduce_sum3A_20 = vector.multi_reduction <add>, %reduce_sum3A, %reduce_sum3A_19 [1, 2] : vector<1x64x12800xf32> to vector<1xf32>
      %reduce_sum3A_21 = vector.shape_cast %reduce_sum3A_20 : vector<1xf32> to vector<1x1x1xf32>
      %reduce_sum3A_22 = vector.extract %reduce_sum3A_21[0, 0, 0] : f32 from vector<1x1x1xf32>
      %add3A = arith.addf %get3A_18, %reduce_sum3A_22 : f32
      %swap3A = arith.constant 0 : index
      %swap3A_23 = arith.constant 0 : index
      %swap3A_24 = memref.load %arg3[%swap3A, %swap3A_23] : memref<1x1xf32, #tpu.memory_space<smem>>
      memref.store %add3A, %arg3[%swap3A, %swap3A_23] : memref<1x1xf32, #tpu.memory_space<smem>>
      %get3A_25 = arith.constant 0 : index
      %get3A_26 = arith.constant 0 : index
      %get3A_27 = memref.load %arg4[%get3A_25, %get3A_26] : memref<1x1xf32, #tpu.memory_space<smem>>
      %mul3A_28 = arith.mulf %get3A_15, %get3A_15 : vector<64x12800xf32>
      %reduce_sum3A_29 = vector.shape_cast %mul3A_28 : vector<64x12800xf32> to vector<1x64x12800xf32>
      %reduce_sum3A_30 = arith.constant dense<0.000000e+00> : vector<1xf32>
      %reduce_sum3A_31 = vector.multi_reduction <add>, %reduce_sum3A_29, %reduce_sum3A_30 [1, 2] : vector<1x64x12800xf32> to vector<1xf32>
      %reduce_sum3A_32 = vector.shape_cast %reduce_sum3A_31 : vector<1xf32> to vector<1x1x1xf32>
      %reduce_sum3A_33 = vector.extract %reduce_sum3A_32[0, 0, 0] : f32 from vector<1x1x1xf32>
      %add3A_34 = arith.addf %get3A_27, %reduce_sum3A_33 : f32
      %swap3A_35 = arith.constant 0 : index
      %swap3A_36 = arith.constant 0 : index
      %swap3A_37 = memref.load %arg4[%swap3A_35, %swap3A_36] : memref<1x1xf32, #tpu.memory_space<smem>>
      memref.store %add3A_34, %arg4[%swap3A_35, %swap3A_36] : memref<1x1xf32, #tpu.memory_space<smem>>
    } else {
    }
    %eq3A_6 = arith.constant 7 : i32
    %eq3A_7 = arith.cmpi eq, %arg0, %eq3A_6 : i32
    %convert_element_type3A_8 = arith.extui %eq3A_7 : i1 to i32
    %cond3A_9 = arith.constant 0 : i32
    %cond3A_10 = arith.cmpi ne, %convert_element_type3A_8, %cond3A_9 : i32
    scf.if %cond3A_10 {
      %iota3A = tpu.iota {dimensions = array<i32: 1>} : vector<64x12800xi32>
      %get3A = arith.constant 0 : index
      %get3A_11 = arith.constant 0 : index
      %get3A_12 = vector.load %arg1[%get3A, %get3A_11] : memref<64x12800xf32, #tpu.memory_space<vmem>>, vector<64x12800xf32>
      %get3A_13 = arith.constant 0 : index
      %get3A_14 = arith.constant 0 : index
      %get3A_15 = vector.load %arg2[%get3A_13, %get3A_14] : memref<64x12800xf32, #tpu.memory_space<vmem>>, vector<64x12800xf32>
      %get3A_16 = arith.constant 0 : index
      %get3A_17 = arith.constant 0 : index
      %get3A_18 = memref.load %arg3[%get3A_16, %get3A_17] : memref<1x1xf32, #tpu.memory_space<smem>>
      %lt3A_19 = arith.constant 10400 : i32
      %lt3A_20 = vector.broadcast %lt3A_19 : i32 to vector<64x12800xi32>
      %lt3A_21 = arith.cmpi slt, %iota3A, %lt3A_20 : vector<64x12800xi32>
      %mul3A = arith.mulf %get3A_12, %get3A_12 : vector<64x12800xf32>
      %jit3A = arith.constant 0.000000e+00 : f32
      %broadcast_in_dim3A = vector.broadcast %jit3A : f32 to vector<64x12800xf32>
      %select_n3A = arith.select %lt3A_21, %mul3A, %broadcast_in_dim3A : vector<64x12800xi1>, vector<64x12800xf32>
      %reduce_sum3A = vector.shape_cast %select_n3A : vector<64x12800xf32> to vector<1x64x12800xf32>
      %reduce_sum3A_22 = arith.constant dense<0.000000e+00> : vector<1xf32>
      %reduce_sum3A_23 = vector.multi_reduction <add>, %reduce_sum3A, %reduce_sum3A_22 [1, 2] : vector<1x64x12800xf32> to vector<1xf32>
      %reduce_sum3A_24 = vector.shape_cast %reduce_sum3A_23 : vector<1xf32> to vector<1x1x1xf32>
      %reduce_sum3A_25 = vector.extract %reduce_sum3A_24[0, 0, 0] : f32 from vector<1x1x1xf32>
      %add3A = arith.addf %get3A_18, %reduce_sum3A_25 : f32
      %swap3A = arith.constant 0 : index
      %swap3A_26 = arith.constant 0 : index
      %swap3A_27 = memref.load %arg3[%swap3A, %swap3A_26] : memref<1x1xf32, #tpu.memory_space<smem>>
      memref.store %add3A, %arg3[%swap3A, %swap3A_26] : memref<1x1xf32, #tpu.memory_space<smem>>
      %get3A_28 = arith.constant 0 : index
      %get3A_29 = arith.constant 0 : index
      %get3A_30 = memref.load %arg4[%get3A_28, %get3A_29] : memref<1x1xf32, #tpu.memory_space<smem>>
      %lt3A_31 = arith.constant 10401 : i32
      %lt3A_32 = vector.broadcast %lt3A_31 : i32 to vector<64x12800xi32>
      %lt3A_33 = arith.cmpi slt, %iota3A, %lt3A_32 : vector<64x12800xi32>
      %mul3A_34 = arith.mulf %get3A_15, %get3A_15 : vector<64x12800xf32>
      %jit3A_35 = arith.constant 0.000000e+00 : f32
      %broadcast_in_dim3A_36 = vector.broadcast %jit3A_35 : f32 to vector<64x12800xf32>
      %select_n3A_37 = arith.select %lt3A_33, %mul3A_34, %broadcast_in_dim3A_36 : vector<64x12800xi1>, vector<64x12800xf32>
      %reduce_sum3A_38 = vector.shape_cast %select_n3A_37 : vector<64x12800xf32> to vector<1x64x12800xf32>
      %reduce_sum3A_39 = arith.constant dense<0.000000e+00> : vector<1xf32>
      %reduce_sum3A_40 = vector.multi_reduction <add>, %reduce_sum3A_38, %reduce_sum3A_39 [1, 2] : vector<1x64x12800xf32> to vector<1xf32>
      %reduce_sum3A_41 = vector.shape_cast %reduce_sum3A_40 : vector<1xf32> to vector<1x1x1xf32>
      %reduce_sum3A_42 = vector.extract %reduce_sum3A_41[0, 0, 0] : f32 from vector<1x1x1xf32>
      %add3A_43 = arith.addf %get3A_30, %reduce_sum3A_42 : f32
      %swap3A_44 = arith.constant 0 : index
      %swap3A_45 = arith.constant 0 : index
      %swap3A_46 = memref.load %arg4[%swap3A_44, %swap3A_45] : memref<1x1xf32, #tpu.memory_space<smem>>
      memref.store %add3A_43, %arg4[%swap3A_44, %swap3A_45] : memref<1x1xf32, #tpu.memory_space<smem>>
    } else {
    }
    return
  }
  func.func @transform_0(%arg0: i32) -> (i32, i32) {
    %c0_i32 = arith.constant 0 : i32
    %c0_i32_0 = arith.constant 0 : i32
    return %c0_i32, %arg0 : i32, i32
  }
  func.func @transform_1(%arg0: i32) -> (i32, i32) {
    %c0_i32 = arith.constant 0 : i32
    %c0_i32_0 = arith.constant 0 : i32
    return %c0_i32, %arg0 : i32, i32
  }
  func.func @transform_2(%arg0: i32) -> (i32, i32) {
    %c0_i32 = arith.constant 0 : i32
    %c0_i32_0 = arith.constant 0 : i32
    %c0_i32_1 = arith.constant 0 : i32
    return %c0_i32, %c0_i32_0 : i32, i32
  }
  func.func @transform_3(%arg0: i32) -> (i32, i32) {
    %c0_i32 = arith.constant 0 : i32
    %c0_i32_0 = arith.constant 0 : i32
    %c0_i32_1 = arith.constant 0 : i32
    return %c0_i32, %c0_i32_0 : i32, i32
  }
}

module attributes {stable_mosaic.version = 14 : i64} {
  func.func @_reduce_body(%arg0: i32, %arg1: memref<1x50x512xf32, #tpu.memory_space<vmem>>, %arg2: memref<1x50x512xf32, #tpu.memory_space<vmem>>, %arg3: memref<1x4096xf32, #tpu.memory_space<vmem>>, %arg4: memref<1x512xf32, #tpu.memory_space<vmem>>, %arg5: memref<1x512xf32, #tpu.memory_space<vmem>>, %arg6: memref<1x512xi32, #tpu.memory_space<vmem>>, %arg7: memref<256x1xf32, #tpu.memory_space<vmem>>, %arg8: memref<1x1xf32, #tpu.memory_space<smem>>, %arg9: memref<1x1xf32, #tpu.memory_space<smem>>, %arg10: memref<1x1xf32, #tpu.memory_space<smem>>, %arg11: memref<1x1xf32, #tpu.memory_space<smem>>, %arg12: memref<1x1xf32, #tpu.memory_space<smem>>) attributes {dimension_semantics = [#tpu.dimension_semantics<arbitrary>], iteration_bounds = array<i64: 8>, scalar_prefetch = 0 : i64, scratch_operands = 1 : i64, tpu.core_type = #tpu.core_type<tc>, window_params = [{transform_indices = @transform_0, window_bounds = array<i64: 1, 50, 512>}, {transform_indices = @transform_1, window_bounds = array<i64: 1, 50, 512>}, {pipeline_mode = #tpu.pipeline_mode<synchronous>, transform_indices = @transform_2, window_bounds = array<i64: 1, 4096>}, {transform_indices = @transform_3, window_bounds = array<i64: 1, 512>}, {transform_indices = @transform_4, window_bounds = array<i64: 1, 512>}, {transform_indices = @transform_5, window_bounds = array<i64: 1, 512>}, {pipeline_mode = #tpu.pipeline_mode<synchronous>, transform_indices = @transform_6, window_bounds = array<i64: 256, 1>}, {transform_indices = @transform_7, window_bounds = array<i64: 1, 1>}, {transform_indices = @transform_8, window_bounds = array<i64: 1, 1>}, {transform_indices = @transform_9, window_bounds = array<i64: 1, 1>}, {transform_indices = @transform_10, window_bounds = array<i64: 1, 1>}]} {
    %get3A = arith.constant 0 : index
    %get3A_0 = arith.constant 0 : index
    %get3A_1 = vector.load %arg3[%get3A, %get3A_0] : memref<1x4096xf32, #tpu.memory_space<vmem>>, vector<1x4096xf32>
    %reduce_sum3A = vector.shape_cast %get3A_1 : vector<1x4096xf32> to vector<1x1x4096xf32>
    %reduce_sum3A_2 = arith.constant dense<0.000000e+00> : vector<1xf32>
    %reduce_sum3A_3 = vector.multi_reduction <add>, %reduce_sum3A, %reduce_sum3A_2 [1, 2] : vector<1x1x4096xf32> to vector<1xf32>
    %reduce_sum3A_4 = vector.shape_cast %reduce_sum3A_3 : vector<1xf32> to vector<1x1x1xf32>
    %reduce_sum3A_5 = vector.extract %reduce_sum3A_4[0, 0, 0] : f32 from vector<1x1x1xf32>
    %iota3A = tpu.iota {dimensions = array<i32: 0>} : vector<50x1xi32>
    %add3A = arith.constant 1 : i32
    %add3A_6 = vector.broadcast %add3A : i32 to vector<50x1xi32>
    %add3A_7 = arith.addi %iota3A, %add3A_6 : vector<50x1xi32>
    %convert_element_type3A = arith.sitofp %add3A_7 : vector<50x1xi32> to vector<50x1xf32>
    %le3A = vector.broadcast %reduce_sum3A_5 : f32 to vector<50x1xf32>
    %le3A_8 = arith.cmpf ole, %convert_element_type3A, %le3A : vector<50x1xf32>
    %convert_element_type3A_9 = arith.extui %le3A_8 : vector<50x1xi1> to vector<50x1xi32>
    %convert_element_type3A_10 = arith.sitofp %convert_element_type3A_9 : vector<50x1xi32> to vector<50x1xf32>
    %get3A_11 = arith.constant 0 : index
    %get3A_12 = arith.constant 0 : index
    %get3A_13 = arith.constant 0 : index
    %get3A_14 = vector.load %arg1[%get3A_11, %get3A_12, %get3A_13] : memref<1x50x512xf32, #tpu.memory_space<vmem>>, vector<1x50x512xf32>
    %squeeze3A = vector.shape_cast %get3A_14 : vector<1x50x512xf32> to vector<50x512xf32>
    %get3A_15 = arith.constant 0 : index
    %get3A_16 = arith.constant 0 : index
    %get3A_17 = arith.constant 0 : index
    %get3A_18 = vector.load %arg2[%get3A_15, %get3A_16, %get3A_17] : memref<1x50x512xf32, #tpu.memory_space<vmem>>, vector<1x50x512xf32>
    %squeeze3A_19 = vector.shape_cast %get3A_18 : vector<1x50x512xf32> to vector<50x512xf32>
    %mul3A = vector.broadcast %convert_element_type3A_10 : vector<50x1xf32> to vector<50x512xf32>
    %mul3A_20 = arith.mulf %squeeze3A, %mul3A : vector<50x512xf32>
    %reduce_sum3A_21 = arith.constant dense<0.000000e+00> : vector<512xf32>
    %reduce_sum3A_22 = vector.multi_reduction <add>, %mul3A_20, %reduce_sum3A_21 [0] : vector<50x512xf32> to vector<512xf32>
    %broadcast_in_dim3A = vector.shape_cast %reduce_sum3A_22 : vector<512xf32> to vector<1x512xf32>
    %mul3A_23 = vector.broadcast %convert_element_type3A_10 : vector<50x1xf32> to vector<50x512xf32>
    %mul3A_24 = arith.mulf %squeeze3A_19, %mul3A_23 : vector<50x512xf32>
    %reduce_sum3A_25 = arith.constant dense<0.000000e+00> : vector<512xf32>
    %reduce_sum3A_26 = vector.multi_reduction <add>, %mul3A_24, %reduce_sum3A_25 [0] : vector<50x512xf32> to vector<512xf32>
    %broadcast_in_dim3A_27 = vector.shape_cast %reduce_sum3A_26 : vector<512xf32> to vector<1x512xf32>
    %get3A_28 = arith.constant 0 : index
    %get3A_29 = arith.constant 0 : index
    %get3A_30 = vector.load %arg4[%get3A_28, %get3A_29] : memref<1x512xf32, #tpu.memory_space<vmem>>, vector<1x512xf32>
    %get3A_31 = arith.constant 0 : index
    %get3A_32 = arith.constant 0 : index
    %get3A_33 = vector.load %arg5[%get3A_31, %get3A_32] : memref<1x512xf32, #tpu.memory_space<vmem>>, vector<1x512xf32>
    %sqrt3A = math.sqrt %get3A_30 : vector<1x512xf32>
    %div3A = arith.constant 1.000000e+00 : f32
    %div3A_34 = vector.broadcast %div3A : f32 to vector<1x512xf32>
    %div3A_35 = arith.divf %div3A_34, %sqrt3A : vector<1x512xf32>
    %sqrt3A_36 = math.sqrt %broadcast_in_dim3A : vector<1x512xf32>
    %div3A_37 = arith.divf %broadcast_in_dim3A_27, %sqrt3A_36 : vector<1x512xf32>
    %iota3A_38 = tpu.iota {dimensions = array<i32: 0>} : vector<256x1xi32>
    %get3A_39 = arith.constant 0 : index
    %get3A_40 = arith.constant 0 : index
    %get3A_41 = vector.load %arg6[%get3A_39, %get3A_40] : memref<1x512xi32, #tpu.memory_space<vmem>>, vector<1x512xi32>
    %eq3A = vector.broadcast %get3A_41 : vector<1x512xi32> to vector<256x512xi32>
    %eq3A_42 = vector.broadcast %iota3A_38 : vector<256x1xi32> to vector<256x512xi32>
    %eq3A_43 = arith.cmpi eq, %eq3A, %eq3A_42 : vector<256x512xi32>
    %convert_element_type3A_44 = arith.extui %eq3A_43 : vector<256x512xi1> to vector<256x512xi32>
    %convert_element_type3A_45 = arith.sitofp %convert_element_type3A_44 : vector<256x512xi32> to vector<256x512xf32>
    %get3A_46 = arith.constant 0 : index
    %get3A_47 = arith.constant 0 : index
    %get3A_48 = vector.load %arg7[%get3A_46, %get3A_47] : memref<256x1xf32, #tpu.memory_space<vmem>>, vector<256x1xf32>
    %mul3A_49 = vector.broadcast %get3A_48 : vector<256x1xf32> to vector<256x512xf32>
    %mul3A_50 = arith.mulf %convert_element_type3A_45, %mul3A_49 : vector<256x512xf32>
    %reduce_sum3A_51 = arith.constant dense<0.000000e+00> : vector<512xf32>
    %reduce_sum3A_52 = vector.multi_reduction <add>, %mul3A_50, %reduce_sum3A_51 [0] : vector<256x512xf32> to vector<512xf32>
    %broadcast_in_dim3A_53 = vector.shape_cast %reduce_sum3A_52 : vector<512xf32> to vector<1x512xf32>
    %mul3A_54 = arith.mulf %div3A_35, %div3A_37 : vector<1x512xf32>
    %add3A_55 = arith.addf %mul3A_54, %broadcast_in_dim3A_53 : vector<1x512xf32>
    %neg3A = arith.constant 0.000000e+00 : f32
    %neg3A_56 = vector.broadcast %neg3A : f32 to vector<1x512xf32>
    %neg3A_57 = arith.subf %neg3A_56, %add3A_55 : vector<1x512xf32>
    %exp3A = math.exp %neg3A_57 : vector<1x512xf32>
    %add3A_58 = arith.constant 1.000000e+00 : f32
    %add3A_59 = vector.broadcast %add3A_58 : f32 to vector<1x512xf32>
    %add3A_60 = arith.addf %add3A_59, %exp3A : vector<1x512xf32>
    %div3A_61 = arith.constant 1.000000e+00 : f32
    %div3A_62 = vector.broadcast %div3A_61 : f32 to vector<1x512xf32>
    %div3A_63 = arith.divf %div3A_62, %add3A_60 : vector<1x512xf32>
    %jit3A = arith.constant 9.99999996E-13 : f32
    %jit3A_64 = arith.constant 1.000000e+00 : f32
    %max3A = vector.broadcast %jit3A : f32 to vector<1x512xf32>
    %max3A_65 = arith.maximumf %max3A, %div3A_63 : vector<1x512xf32>
    %min3A = vector.broadcast %jit3A_64 : f32 to vector<1x512xf32>
    %min3A_66 = arith.minimumf %min3A, %max3A_65 : vector<1x512xf32>
    %log3A = math.log %min3A_66 : vector<1x512xf32>
    %mul3A_67 = arith.mulf %get3A_33, %log3A : vector<1x512xf32>
    %sub3A = arith.constant 1.000000e+00 : f32
    %sub3A_68 = vector.broadcast %sub3A : f32 to vector<1x512xf32>
    %sub3A_69 = arith.subf %sub3A_68, %get3A_33 : vector<1x512xf32>
    %sub3A_70 = arith.constant 1.000000e+00 : f32
    %sub3A_71 = vector.broadcast %sub3A_70 : f32 to vector<1x512xf32>
    %sub3A_72 = arith.subf %sub3A_71, %min3A_66 : vector<1x512xf32>
    %log3A_73 = math.log %sub3A_72 : vector<1x512xf32>
    %mul3A_74 = arith.mulf %sub3A_69, %log3A_73 : vector<1x512xf32>
    %add3A_75 = arith.addf %mul3A_67, %mul3A_74 : vector<1x512xf32>
    %reduce_sum3A_76 = vector.shape_cast %add3A_75 : vector<1x512xf32> to vector<1x1x512xf32>
    %reduce_sum3A_77 = arith.constant dense<0.000000e+00> : vector<1xf32>
    %reduce_sum3A_78 = vector.multi_reduction <add>, %reduce_sum3A_76, %reduce_sum3A_77 [1, 2] : vector<1x1x512xf32> to vector<1xf32>
    %reduce_sum3A_79 = vector.shape_cast %reduce_sum3A_78 : vector<1xf32> to vector<1x1x1xf32>
    %reduce_sum3A_80 = vector.extract %reduce_sum3A_79[0, 0, 0] : f32 from vector<1x1x1xf32>
    %eq3A_81 = arith.constant 0 : i32
    %eq3A_82 = arith.cmpi eq, %arg0, %eq3A_81 : i32
    %convert_element_type3A_83 = arith.extui %eq3A_82 : i1 to i32
    %cond3A = arith.constant 0 : i32
    %cond3A_84 = arith.cmpi ne, %convert_element_type3A_83, %cond3A : i32
    scf.if %cond3A_84 {
      %swap3A_96 = arith.constant 0.000000e+00 : f32
      %swap3A_97 = arith.constant 0 : index
      %swap3A_98 = arith.constant 0 : index
      %swap3A_99 = memref.load %arg12[%swap3A_97, %swap3A_98] : memref<1x1xf32, #tpu.memory_space<smem>>
      memref.store %swap3A_96, %arg12[%swap3A_97, %swap3A_98] : memref<1x1xf32, #tpu.memory_space<smem>>
    } else {
    }
    %get3A_85 = arith.constant 0 : index
    %get3A_86 = arith.constant 0 : index
    %get3A_87 = memref.load %arg12[%get3A_85, %get3A_86] : memref<1x1xf32, #tpu.memory_space<smem>>
    %add3A_88 = arith.addf %get3A_87, %reduce_sum3A_80 : f32
    %swap3A = arith.constant 0 : index
    %swap3A_89 = arith.constant 0 : index
    %swap3A_90 = memref.load %arg12[%swap3A, %swap3A_89] : memref<1x1xf32, #tpu.memory_space<smem>>
    memref.store %add3A_88, %arg12[%swap3A, %swap3A_89] : memref<1x1xf32, #tpu.memory_space<smem>>
    %eq3A_91 = arith.constant 7 : i32
    %eq3A_92 = arith.cmpi eq, %arg0, %eq3A_91 : i32
    %convert_element_type3A_93 = arith.extui %eq3A_92 : i1 to i32
    %cond3A_94 = arith.constant 0 : i32
    %cond3A_95 = arith.cmpi ne, %convert_element_type3A_93, %cond3A_94 : i32
    scf.if %cond3A_95 {
      %get3A_96 = arith.constant 0 : index
      %get3A_97 = arith.constant 0 : index
      %get3A_98 = memref.load %arg12[%get3A_96, %get3A_97] : memref<1x1xf32, #tpu.memory_space<smem>>
      %neg3A_99 = arith.constant 0.000000e+00 : f32
      %neg3A_100 = arith.subf %neg3A_99, %get3A_98 : f32
      %div3A_101 = arith.constant 4.096000e+03 : f32
      %div3A_102 = arith.divf %neg3A_100, %div3A_101 : f32
      %get3A_103 = arith.constant 0 : index
      %get3A_104 = arith.constant 0 : index
      %get3A_105 = memref.load %arg9[%get3A_103, %get3A_104] : memref<1x1xf32, #tpu.memory_space<smem>>
      %sqrt3A_106 = math.sqrt %get3A_105 : f32
      %mul3A_107 = arith.constant 1.000000e-07 : f32
      %mul3A_108 = arith.mulf %mul3A_107, %sqrt3A_106 : f32
      %add3A_109 = arith.addf %div3A_102, %mul3A_108 : f32
      %get3A_110 = arith.constant 0 : index
      %get3A_111 = arith.constant 0 : index
      %get3A_112 = memref.load %arg10[%get3A_110, %get3A_111] : memref<1x1xf32, #tpu.memory_space<smem>>
      %sqrt3A_113 = math.sqrt %get3A_112 : f32
      %mul3A_114 = arith.constant 1.000000e-07 : f32
      %mul3A_115 = arith.mulf %mul3A_114, %sqrt3A_113 : f32
      %add3A_116 = arith.addf %add3A_109, %mul3A_115 : f32
      %get3A_117 = arith.constant 0 : index
      %get3A_118 = arith.constant 0 : index
      %get3A_119 = memref.load %arg8[%get3A_117, %get3A_118] : memref<1x1xf32, #tpu.memory_space<smem>>
      %sqrt3A_120 = math.sqrt %get3A_119 : f32
      %mul3A_121 = arith.constant 9.99999974E-6 : f32
      %mul3A_122 = arith.mulf %mul3A_121, %sqrt3A_120 : f32
      %add3A_123 = arith.addf %add3A_116, %mul3A_122 : f32
      %swap3A_124 = arith.constant 0 : index
      %swap3A_125 = arith.constant 0 : index
      %swap3A_126 = memref.load %arg11[%swap3A_124, %swap3A_125] : memref<1x1xf32, #tpu.memory_space<smem>>
      memref.store %add3A_123, %arg11[%swap3A_124, %swap3A_125] : memref<1x1xf32, #tpu.memory_space<smem>>
    } else {
    }
    return
  }
  func.func @transform_0(%arg0: i32) -> (i32, i32, i32) {
    %c0_i32 = arith.constant 0 : i32
    %c0_i32_0 = arith.constant 0 : i32
    %c0_i32_1 = arith.constant 0 : i32
    return %c0_i32, %c0_i32_0, %arg0 : i32, i32, i32
  }
  func.func @transform_1(%arg0: i32) -> (i32, i32, i32) {
    %c1_i32 = arith.constant 1 : i32
    %c0_i32 = arith.constant 0 : i32
    %c0_i32_0 = arith.constant 0 : i32
    return %c1_i32, %c0_i32, %arg0 : i32, i32, i32
  }
  func.func @transform_2(%arg0: i32) -> (i32, i32) {
    %c0_i32 = arith.constant 0 : i32
    %c0_i32_0 = arith.constant 0 : i32
    %c0_i32_1 = arith.constant 0 : i32
    return %c0_i32, %c0_i32_0 : i32, i32
  }
  func.func @transform_3(%arg0: i32) -> (i32, i32) {
    %c0_i32 = arith.constant 0 : i32
    %c0_i32_0 = arith.constant 0 : i32
    return %c0_i32, %arg0 : i32, i32
  }
  func.func @transform_4(%arg0: i32) -> (i32, i32) {
    %c0_i32 = arith.constant 0 : i32
    %c0_i32_0 = arith.constant 0 : i32
    return %c0_i32, %arg0 : i32, i32
  }
  func.func @transform_5(%arg0: i32) -> (i32, i32) {
    %c0_i32 = arith.constant 0 : i32
    %c0_i32_0 = arith.constant 0 : i32
    return %c0_i32, %arg0 : i32, i32
  }
  func.func @transform_6(%arg0: i32) -> (i32, i32) {
    %c0_i32 = arith.constant 0 : i32
    %c0_i32_0 = arith.constant 0 : i32
    %c0_i32_1 = arith.constant 0 : i32
    return %c0_i32, %c0_i32_0 : i32, i32
  }
  func.func @transform_7(%arg0: i32) -> (i32, i32) {
    %c0_i32 = arith.constant 0 : i32
    %c0_i32_0 = arith.constant 0 : i32
    %c0_i32_1 = arith.constant 0 : i32
    return %c0_i32, %c0_i32_0 : i32, i32
  }
  func.func @transform_8(%arg0: i32) -> (i32, i32) {
    %c0_i32 = arith.constant 0 : i32
    %c0_i32_0 = arith.constant 0 : i32
    %c0_i32_1 = arith.constant 0 : i32
    return %c0_i32, %c0_i32_0 : i32, i32
  }
  func.func @transform_9(%arg0: i32) -> (i32, i32) {
    %c0_i32 = arith.constant 0 : i32
    %c0_i32_0 = arith.constant 0 : i32
    %c0_i32_1 = arith.constant 0 : i32
    return %c0_i32, %c0_i32_0 : i32, i32
  }
  func.func @transform_10(%arg0: i32) -> (i32, i32) {
    %c0_i32 = arith.constant 0 : i32
    %c0_i32_0 = arith.constant 0 : i32
    %c0_i32_1 = arith.constant 0 : i32
    return %c0_i32, %c0_i32_0 : i32, i32
  }
}

</mosaic_0001>

<sc_bundles>
// kernel: kernel.6.cloned.1.call-start
scs
__scs_entry_jumppad:
0x0: {  	(pc) =	sbr.rel $0x88, $3  }
0x1: {  	(tag) =	ssettag $0x0;
	lr =	simm.s32 $0x1  }
0x2: {  	[smem:$0x3F97] =	sst lr;
	_ =	strace $0xD0000000  }
0x3: {  	_ = 	snop  }
0x4: {  	_ = 	snop  }
0x5: {  	_ = 	snop  }
0x6: {  	_ = 	snop  }
0x7: {  	_ = 	snop  }
__scs_overlays_trampoline_lowered:
0x8: {  	[smem:$0x3FA6] =	sst s0  }
0x9: {  	[smem:$0x3FA7] =	sst s1  }
0xa: {  	[smem:$0x3FA8] =	sst s2  }
0xb: {  	[smem:$0x3FA9] =	sst s3  }
0xc: {  	[smem:$0x3FAA] =	sst s4  }
0xd: {  	[smem:$0x3FAB] =	sst s5  }
0xe: {  	[smem:$0x3FAC] =	sst s6  }
0xf: {  	[smem:$0x3FAD] =	sst s7  }
0x10: {  	[smem:$0x3FAE] =	sst s8  }
0x11: {  	[smem:$0x3FAF] =	sst s9;
	s0 =	simm.s32 @!p0 $0x0  }
0x12: {  	s1 =	sld [smem:$0x3F95];
	s0 =	simm.s32 @p0 $0x1  }
0x13: {  	[smem:$0x3FB0] =	sst s0;
	s0 =	simm.s32 @!p1 $0x0  }
0x14: {  	s2 =	sld [smem:$0x3F94];
	s0 =	simm.s32 @p1 $0x1  }
0x15: {  	[smem:$0x3FB1] =	sst s0;
	s0 =	simm.s32 @!p2 $0x0  }
0x16: {  	s3 =	sld [smem:$0x3FDB];
	s0 =	simm.s32 @p2 $0x1  }
0x17: {  	s4 =	simm.s32 $0x1BF5;
	[smem:$0x3FB3] =	sst s0  }
0x18: {  	s0 =	sld [smem:$0x3F96];
	_ =	swait.ge [sflag:s4], $0x0  }
0x19: {  	s7 =	sld [smem:$0x3F97]  }
0x1a: {  	s8 =	sadd.s32 $0xFFFFE003, lr  }
0x1b: {  	s9 =	sadd.s32 $0xFFFFFEF7, lr;
	s5 =	simm.s32 $0xFFFFFFFF;
	p2 =	slt.u32 s8, $0xFFFFF086  }
0x1c: {  	p1 =	slt.u32 s9, $0xF7A;
	s5 =	simm.s32 @!p2 $0x0  }
0x1d: {  	s5 =	simm.s32 @p1 $0x1;
	p0 =	seq.s32 s7, s2  }
0x1e: {  	s7 =	smul.u32 @!p0 $0xF7A, s2;
	p2 =	seq.s32 @!p0 s5, $0x0  }
0x1f: {  	s9 =	smul.u32 $0xF7A, s1;
	s8 =	simm.s32 @!p0 $0x1BF5;
	p2 =	por !p2, p0  }
0x20: {  	[sflag:s8] =	ssyncset.s32 @!p0 $0xFFFFF086;
	s6 =	sadd.s32 @!p0 s3, s7;
	s7 =	simm.s32 @!p0 $0x108  }
0x21: {  	s3 =	sadd.s32 s3, s9;
	s6 =	sadd.s32 @!p0 $0x88, s6;
	s7 =	simm.s32 @p2 $0x1082  }
0x22: {  	[simem:s7], [sflag:s8] =	dma.local @!p0 [hbm:s6], $0xF7A  }
0x23: {  	s9 =	sor.u32 $0xD0000000, s2;
	s6 =	simm.s32 $0x108;
	_ =	swait.ge @!p0 [sflag:s8], $0x0  }
0x24: {  	s3 =	sadd.s32 $0x88, s3;
	s6 =	simm.s32 @!p1 $0x1082;
	[sflag:s4] =	ssyncset.s32 $0xFFFFF086  }
0x25: {  	[simem:s6], [sflag:s4] =	dma.local [hbm:s3], $0xF7A  }
0x26: {  	[smem:$0x3F97] =	sst s1;
	(tag) =	ssettag s2;
	_ =	strace s9  }
0x27: {  	s1 =	sld [smem:$0x3FA7]  }
0x28: {  	s2 =	sld [smem:$0x3FA8]  }
0x29: {  	s4 =	sld [smem:$0x3FAA]  }
0x2a: {  	p0 =	seq.s32 s5, $0x0;
	s5 =	sld [smem:$0x3FAB]  }
0x2b: {  	s6 =	sld [smem:$0x3FAC]  }
0x2c: {  	s7 =	sld [smem:$0x3FAD]  }
0x2d: {  	s3 =	simm.s32 $0x108;
	s8 =	sld [smem:$0x3FAE]  }
0x2e: {  	s3 =	simm.s32 @!p0 $0x1082;
	s9 =	sld [smem:$0x3FAF]  }
0x2f: {  	lr =	sadd.s32 s0, s3;
	s0 =	sld [smem:$0x3FA6]  }
0x30: {  	s3 =	sld [smem:$0x3FA9]  }
0x31: {  	[smem:$0x3FB2] =	sst s10  }
0x32: {  	s10 =	sld [smem:$0x3FB0];
	_ =	sdelay $0x3  }
0x33: {  	p0 =	seq.s32 s10, $0x1;
	s10 =	sld [smem:$0x3FB2];
	_ =	sdelay $0x3  }
0x34: {  	[smem:$0x3FB2] =	sst s10  }
0x35: {  	s10 =	sld [smem:$0x3FB1];
	_ =	sdelay $0x3  }
0x36: {  	p1 =	seq.s32 s10, $0x1;
	s10 =	sld [smem:$0x3FB2];
	_ =	sdelay $0x3  }
0x37: {  	[smem:$0x3FB2] =	sst s10  }
0x38: {  	s10 =	sld [smem:$0x3FB3]  }
0x39: {  	_ = 	snop;
	(pc) =	sbr.ind lr, $3  }
0x3a: {  	_ = 	snop  }
0x3b: {  	_ = 	snop  }
0x3c: {  	p2 =	seq.s32 s10, $0x1;
	s10 =	sld [smem:$0x3FB2]  }
0x3d: {  	_ =	shalt  }
0x3e: {  	_ =	shalt  }
0x3f: {  	_ =	shalt  }
0x40: {  	_ =	shalt  }
0x41: {  	_ =	shalt  }
0x42: {  	_ =	shalt  }
0x43: {  	_ =	shalt  }
0x44: {  	_ =	shalt  }
0x45: {  	_ =	shalt  }
0x46: {  	_ =	shalt  }
0x47: {  	_ =	shalt  }
0x48: {  	_ =	shalt  }
0x49: {  	_ =	shalt  }
0x4a: {  	_ =	shalt  }
0x4b: {  	_ =	shalt  }
0x4c: {  	_ =	shalt  }
0x4d: {  	_ =	shalt  }
0x4e: {  	_ =	shalt  }
0x4f: {  	_ =	shalt  }
0x50: {  	_ =	shalt  }
0x51: {  	_ =	shalt  }
0x52: {  	_ =	shalt  }
0x53: {  	_ =	shalt  }
0x54: {  	_ =	shalt  }
0x55: {  	_ =	shalt  }
0x56: {  	_ =	shalt  }
0x57: {  	_ =	shalt  }
0x58: {  	_ =	shalt  }
0x59: {  	_ =	shalt  }
0x5a: {  	_ =	shalt  }
0x5b: {  	_ =	shalt  }
0x5c: {  	_ =	shalt  }
0x5d: {  	_ =	shalt  }
0x5e: {  	_ =	shalt  }
0x5f: {  	_ =	shalt  }
0x60: {  	_ =	shalt  }
0x61: {  	_ =	shalt  }
0x62: {  	_ =	shalt  }
0x63: {  	_ =	shalt  }
0x64: {  	_ =	shalt  }
0x65: {  	_ =	shalt  }
0x66: {  	_ =	shalt  }
0x67: {  	_ =	shalt  }
0x68: {  	_ =	shalt  }
0x69: {  	_ =	shalt  }
0x6a: {  	_ =	shalt  }
0x6b: {  	_ =	shalt  }
0x6c: {  	_ =	shalt  }
0x6d: {  	_ =	shalt  }
0x6e: {  	_ =	shalt  }
0x6f: {  	_ =	shalt  }
0x70: {  	_ =	shalt  }
0x71: {  	_ =	shalt  }
0x72: {  	_ =	shalt  }
0x73: {  	_ =	shalt  }
0x74: {  	_ =	shalt  }
0x75: {  	_ =	shalt  }
0x76: {  	_ =	shalt  }
0x77: {  	_ =	shalt  }
0x78: {  	_ =	shalt  }
0x79: {  	_ =	shalt  }
0x7a: {  	_ =	shalt  }
0x7b: {  	_ =	shalt  }
0x7c: {  	_ =	shalt  }
0x7d: {  	_ =	shalt  }
0x7e: {  	_ =	shalt  }
0x7f: {  	_ =	shalt  }
0x80: {  	_ =	shalt  }
0x81: {  	_ =	shalt  }
0x82: {  	_ =	shalt  }
0x83: {  	_ =	shalt  }
0x84: {  	_ =	shalt  }
0x85: {  	_ =	shalt  }
0x86: {  	_ =	shalt  }
0x87: {  	_ =	shalt  }
.Lfunc_end0:
.L_simem_size_0:
called_computation_lowered:
.L_overlay_start_0:
0x88: {  	s2 =	sld [smem:$0x3FD9]  }
0x89: {  	s3 =	sld [smem:$0x3FFE];
	_ =	sdelay $0x1  }
0x8a: {  	s1 =	srdreg.scid  }
0x8b: {  	s0 =	sand.u32 $0x1, s1  }
0x8c: {  	s16 =	sshll.u32 s0, $0xA;
	s2 =	sadd.s32 s3, s2  }
0x8d: {  	s2 =	sadd.s32 s2, s16  }
0x8e: {  	[smem:$0x3FBE] =	sst s2  }
0x8f: {  	_ = 	snop  }
0x90: {  	(tm) =	ssettm $0x1  }
0x91: {  	s17 =	sld [smem:$0x3FFB];
	_ =	sdelay $0x3  }
0x92: {  	_ =	strace s17  }
0x93: {  	s2 =	sld [smem:$0x3FFC];
	_ =	sdelay $0x3  }
0x94: {  	_ =	strace s2  }
0x95: {  	s2 =	sld [smem:$0x3FFD];
	_ =	sdelay $0x3  }
0x96: {  	_ =	strace s2  }
0x97: {  	_ =	strace $0x8FFFFFFF  }
0x98: {  	s18 =	sld [smem:$0x3FDB];
	_ =	sdelay $0x1  }
0x99: {  	s19 =	simm.s32 $_scs_section_size  }
0x9a: {  	s4 =	simm.s32 $_size__tile_overlayer_lowered;
	s5 =	simm.s32 $_tile_overlayer_lowered  }
0x9b: {  	s22 =	simm.s32 $0x1BFF;
	s21 =	sshll.u32 s5, $0x1;
	s2 =	sadd.s32 s19, s18  }
0x9c: {  	s6 =	simm.s32 $0x0;
	s20 =	sshll.u32 s4, $0x1;
	s4 =	sadd.s32 s21, s2  }
0x9d: {  	[timem:s6], [sflag:s22] =	dma.local [hbm:s4], s20  }
0x9e: {  	_ =	swait.ge [sflag:s22], s20  }
0x9f: {  	s3 =	ssub.s32 $0x0, s20;
	[sflag:s22] =	ssyncset.done $0x0  }
0xa0: {  	[sflag:s22] =	ssyncadd.s32 s3;
	_ =	sdelay $0x1  }
0xa1: {  	s23 =	simm.s32 $0x1B8B  }
0xa2: {  	_ =	swait.ge [sflag:s23], $0x1  }
0xa3: {  	[sflag:s23] =	ssyncset.done $0x0  }
0xa4: {  	s25 =	simm.s32 $0x1B8E;
	s24 =	sld [smem:$0x3FFE];
	[sflag:s23] =	ssyncadd.s32 $0xFFFFFFFF  }
0xa5: {  	s26 =	simm.s32 $execute0_lowered;
	[smem:$0x3FD2] =	sst s25  }
0xa6: {  	s4 =	sshll.u32 s26, $0x1;
	_ =	strace $0x80000046;
	[dreg:$0x1] =	wrdreg $0xFFFFFFFF  }
0xa7: {  	s28 =	simm.s32 $_size_execute0_lowered;
	s2 =	sadd.s32 s2, s4;
	[dreg:$0x0] =	wrdreg $0x0  }
0xa8: {  	s4 =	sshll.u32 s28, $0x1;
	[dreg:$0x2] =	wrdreg s2  }
0xa9: {  	[dreg:$0x3] =	wrdreg s4  }
0xaa: {  	[dreg:$0x4] =	wrdreg $0xC0  }
0xab: {  	_ =	task [dreg:s6], $0x5FFFF  }
0xac: {  	[dreg:$0x1] =	wrdreg $0xFFFFFFFF  }
0xad: {  	[dreg:$0x0] =	wrdreg $0x60  }
0xae: {  	[dreg:$0x2] =	wrdreg s24  }
0xaf: {  	[dreg:$0x3] =	wrdreg $0x9  }
0xb0: {  	_ =	task.clear_ibuf [dreg:s6], $0x4FFFF;
	_ =	strace $0x90000046  }
0xb1: {  	s29 =	simm.s32 $0x9;
	_ =	strace $0x80000048  }
0xb2: {  	_ =	swait.ge [sflag:s29], $0x1  }
0xb3: {  	[sflag:s29] =	ssyncadd.s32 $0xFFFFFFFF  }
0xb4: {  	_ =	strace $0x90000048  }
0xb5: {  	_ =	sfence  }
0xb6: {  	s30 =	sld [smem:$0x0];
	_ =	sdelay $0x2  }
0xb7: {  	s31 =	sshll.u32 s1, $0xD;
	s1 =	sshrl.u32 s1, $0x2  }
0xb8: {  	s3 =	sand.u32 $0x4000, s31;
	s1 =	sadd.s32 s1, s30  }
0xb9: {  	s0 =	sor.u32 s3, s0;
	s1 =	sshll.u32 s1, $0x11  }
0xba: {  	s0 =	sor.u32 s1, s0  }
0xbb: {  	s0 =	sadd.s32 $0x8F2B, s0  }
0xbc: {  	[sflag:s0] =	ssyncadd.remote.s32 $0x1  }
0xbd: {  	_ =	sfence.sel $0xFFFF  }
0xbe: {  	[dreg:$0x0] =	wrdreg $0xFFFFFFFF;
	(pc) =	sbr.abs _section_cstart, $3  }
0xbf: {  	[dreg:$0x1] =	wrdreg $0xFFFFFFFF  }
0xc0: {  	_ =	task.clear_ibuf [dreg:s6], $0x2FFFF;
	_ =	strace $0x9FFFFFFF  }
0xc1: {  	(tm) =	ssettm $0x7FFFFFFF  }
tec
execute0_lowered:
.L_overlay_start_1:
0x0: {  	(tag) =	ssettag $0x1  }
0x1: {  	s0 =	stileid.u32;
	s1 =	srdreg.scid  }
0x2: {  	s6 =	rddreg [dreg:$0x0];
	s2 =	simm.s32 $0x0;
	s9 =	simm.s32 $0x13200  }
0x3: {  	s3 =	smul.u32 $0x3200, s0;
	s4 =	sand.u32 $0x1, s1;
	s1 =	rddreg [dreg:$0x1]  }
0x4: {  	s10 =	simm.s32 $0x0;
	[smem:$0x7FF] =	sst s2;
	s5 =	smul.u32 $0x32000, s4  }
0x5: {  	_ =	strace $0x80000047;
	s7 =	ssub.s32 $0x2, s4;
	p0 =	seq.s32 s4, $0x1  }
0x6: {  	s8 =	sshrl.u32 s7, $0x1;
	s5 =	sadd.s32 s3, s5;
	s3 =	sshrl.u32 s3, $0x3  }
0x7: {  	s7 =	ssub.s32 s7, s8;
	s8 =	simm.s32 $0x7800;
	s5 =	sshrl.u32 s5, $0x3  }
0x8: {  	s3 =	sadd.s32 s3, s6;
	s8 =	simm.s32 @!p0 $0x9800;
	s5 =	sadd.s32 s5, s6  }
0x9: {  	s3 =	sadd.s32 $0x1400, s3;
	s6 =	sadd.s32 s8, s6;
	s8 =	simm.s32 $0x10000  }
0xa: {  	s4 =	sadd.s32 $0xB800, s5;
	s5 =	smax.u32 s7, $0x1;
	s7 =	simm.s32 $0x1  }
.LBB2_1:
0xb: {  	[tilespmem:s2], [sflag:$0x1] =	stream.linear.gather [hbm4b:s6+s2], $0x10000, $0x38;
	[tilespmem:$0x16400] =	vst v63  }
0xc: {  	_ =	swait.ge [sflag:s7], $0x10000  }
0xd: {  	[sflag:s7] =	ssyncset.done $0x0  }
0xe: {  	[sflag:s7] =	ssyncadd.s32 $0xFFFF0000  }
0xf: {  	[tilespmem:s8], [sflag:$0x1] =	stream.linear.gather [hbm4b:s3+s2], $0x3200, $0x38;
	[tilespmem:$0x16400] =	vst v63  }
0x10: {  	_ =	swait.ge [sflag:s7], $0x3200  }
0x11: {  	[sflag:s7] =	ssyncset.done $0x0  }
0x12: {  	s11 =	simm.s32 $0x0;
	[sflag:s7] =	ssyncadd.s32 $0xFFFFCE00  }
0x13: {  	v0 =	vld [tilespmem:s11+$0x10000];
	_ =	sdelay $0x5  }
0x14: {  	v1 =	vld [tilespmem:s11+$0x10010];
	_ =	sdelay $0x1  }
0x15: {  	v0 =	vld.idx.msk [tilespmem:v0+s2+$0x0], $0xffff;
	_ =	sdelay $0x4  }
0x16: {  	[tilespmem:s11+$0x13200] =	vst v0;
	v0 =	vld [tilespmem:s11+$0x10020]  }
0x17: {  	v1 =	vld.idx.msk [tilespmem:v1+s2+$0x0], $0xffff;
	_ =	sdelay $0x4  }
0x18: {  	[tilespmem:s11+$0x13210] =	vst v1;
	v1 =	vld [tilespmem:s11+$0x10030];
	_ =	sdelay $0x1  }
0x19: {  	v0 =	vld.idx.msk [tilespmem:v0+s2+$0x0], $0xffff;
	_ =	sdelay $0x4  }
0x1a: {  	[tilespmem:s11+$0x13220] =	vst v0;
	v0 =	vld [tilespmem:s11+$0x10040]  }
0x1b: {  	v1 =	vld.idx.msk [tilespmem:v1+s2+$0x0], $0xffff;
	_ =	sdelay $0x4  }
0x1c: {  	[tilespmem:s11+$0x13230] =	vst v1;
	v1 =	vld [tilespmem:s11+$0x10050];
	_ =	sdelay $0x1  }
0x1d: {  	v0 =	vld.idx.msk [tilespmem:v0+s2+$0x0], $0xffff;
	_ =	sdelay $0x4  }
0x1e: {  	[tilespmem:s11+$0x13240] =	vst v0;
	v0 =	vld [tilespmem:s11+$0x10060]  }
0x1f: {  	v1 =	vld.idx.msk [tilespmem:v1+s2+$0x0], $0xffff;
	_ =	sdelay $0x4  }
0x20: {  	[tilespmem:s11+$0x13250] =	vst v1;
	v1 =	vld [tilespmem:s11+$0x10070];
	_ =	sdelay $0x1  }
0x21: {  	v0 =	vld.idx.msk [tilespmem:v0+s2+$0x0], $0xffff;
	_ =	sdelay $0x4  }
0x22: {  	[tilespmem:s11+$0x13260] =	vst v0;
	v0 =	vld [tilespmem:s11+$0x10080]  }
0x23: {  	v1 =	vld.idx.msk [tilespmem:v1+s2+$0x0], $0xffff;
	_ =	sdelay $0x4  }
0x24: {  	[tilespmem:s11+$0x13270] =	vst v1;
	v1 =	vld [tilespmem:s11+$0x10090];
	_ =	sdelay $0x1  }
0x25: {  	v0 =	vld.idx.msk [tilespmem:v0+s2+$0x0], $0xffff;
	_ =	sdelay $0x4  }
0x26: {  	[tilespmem:s11+$0x13280] =	vst v0;
	v0 =	vld [tilespmem:s11+$0x100A0]  }
0x27: {  	v1 =	vld.idx.msk [tilespmem:v1+s2+$0x0], $0xffff;
	_ =	sdelay $0x4  }
0x28: {  	[tilespmem:s11+$0x13290] =	vst v1;
	v1 =	vld [tilespmem:s11+$0x100B0];
	_ =	sdelay $0x1  }
0x29: {  	v0 =	vld.idx.msk [tilespmem:v0+s2+$0x0], $0xffff;
	_ =	sdelay $0x4  }
0x2a: {  	[tilespmem:s11+$0x132A0] =	vst v0;
	v0 =	vld [tilespmem:s11+$0x100C0]  }
0x2b: {  	v1 =	vld.idx.msk [tilespmem:v1+s2+$0x0], $0xffff;
	_ =	sdelay $0x4  }
0x2c: {  	[tilespmem:s11+$0x132B0] =	vst v1;
	v1 =	vld [tilespmem:s11+$0x100D0];
	_ =	sdelay $0x1  }
0x2d: {  	v0 =	vld.idx.msk [tilespmem:v0+s2+$0x0], $0xffff;
	_ =	sdelay $0x4  }
0x2e: {  	v2 =	vld [tilespmem:s11+$0x100E0];
	[tilespmem:s11+$0x132C0] =	vst v0  }
0x2f: {  	v0 =	vld.idx.msk [tilespmem:v1+s2+$0x0], $0xffff;
	_ =	sdelay $0x4  }
0x30: {  	[tilespmem:s11+$0x132D0] =	vst v0;
	v0 =	vld [tilespmem:s11+$0x100F0];
	_ =	sdelay $0x1  }
0x31: {  	v1 =	vld.idx.msk [tilespmem:v2+s2+$0x0], $0xffff;
	_ =	sdelay $0x3  }
0x32: {  	s13 =	simm.s32 $0x100;
	s12 =	simm.s32 $0x800  }
.LBB2_2:
0x33: {  	p0 =	sne.s32 s12, $0xC400;
	v2 =	vld [tilespmem:s13+$0x10000];
	[tilespmem:s11+$0x132E0] =	vst v1  }
0x34: {  	v0 =	vld.idx.msk [tilespmem:v0+s2+$0x0], $0xffff;
	_ =	sdelay $0x5  }
0x35: {  	v1 =	vld [tilespmem:s13+$0x10010];
	[tilespmem:s11+$0x132F0] =	vst v0;
	s11 =	smov.u32 s13  }
0x36: {  	v0 =	vld.idx.msk [tilespmem:v2+s2+$0x0], $0xffff;
	_ =	sdelay $0x5  }
0x37: {  	[tilespmem:s11+$0x13200] =	vst v0;
	v0 =	vld [tilespmem:s11+$0x10020]  }
0x38: {  	v1 =	vld.idx.msk [tilespmem:v1+s2+$0x0], $0xffff;
	_ =	sdelay $0x5  }
0x39: {  	[tilespmem:s11+$0x13210] =	vst v1;
	v1 =	vld [tilespmem:s11+$0x10030]  }
0x3a: {  	v0 =	vld.idx.msk [tilespmem:v0+s2+$0x0], $0xffff;
	_ =	sdelay $0x5  }
0x3b: {  	[tilespmem:s11+$0x13220] =	vst v0;
	v0 =	vld [tilespmem:s11+$0x10040]  }
0x3c: {  	v1 =	vld.idx.msk [tilespmem:v1+s2+$0x0], $0xffff;
	_ =	sdelay $0x5  }
0x3d: {  	[tilespmem:s11+$0x13230] =	vst v1;
	v1 =	vld [tilespmem:s11+$0x10050]  }
0x3e: {  	v0 =	vld.idx.msk [tilespmem:v0+s2+$0x0], $0xffff;
	_ =	sdelay $0x5  }
0x3f: {  	[tilespmem:s11+$0x13240] =	vst v0;
	v0 =	vld [tilespmem:s11+$0x10060]  }
0x40: {  	v1 =	vld.idx.msk [tilespmem:v1+s2+$0x0], $0xffff;
	_ =	sdelay $0x5  }
0x41: {  	[tilespmem:s11+$0x13250] =	vst v1;
	v1 =	vld [tilespmem:s11+$0x10070]  }
0x42: {  	v0 =	vld.idx.msk [tilespmem:v0+s2+$0x0], $0xffff;
	_ =	sdelay $0x5  }
0x43: {  	[tilespmem:s11+$0x13260] =	vst v0;
	v0 =	vld [tilespmem:s11+$0x10080]  }
0x44: {  	v1 =	vld.idx.msk [tilespmem:v1+s2+$0x0], $0xffff;
	_ =	sdelay $0x5  }
0x45: {  	[tilespmem:s11+$0x13270] =	vst v1;
	v1 =	vld [tilespmem:s11+$0x10090]  }
0x46: {  	v0 =	vld.idx.msk [tilespmem:v0+s2+$0x0], $0xffff;
	_ =	sdelay $0x5  }
0x47: {  	[tilespmem:s11+$0x13280] =	vst v0;
	v0 =	vld [tilespmem:s11+$0x100A0]  }
0x48: {  	v1 =	vld.idx.msk [tilespmem:v1+s2+$0x0], $0xffff;
	_ =	sdelay $0x5  }
0x49: {  	[tilespmem:s11+$0x13290] =	vst v1;
	v1 =	vld [tilespmem:s11+$0x100B0]  }
0x4a: {  	v0 =	vld.idx.msk [tilespmem:v0+s2+$0x0], $0xffff;
	_ =	sdelay $0x5  }
0x4b: {  	[tilespmem:s11+$0x132A0] =	vst v0;
	v0 =	vld [tilespmem:s11+$0x100C0]  }
0x4c: {  	v1 =	vld.idx.msk [tilespmem:v1+s2+$0x0], $0xffff;
	_ =	sdelay $0x5  }
0x4d: {  	[tilespmem:s11+$0x132B0] =	vst v1;
	v1 =	vld [tilespmem:s11+$0x100D0]  }
0x4e: {  	v0 =	vld.idx.msk [tilespmem:v0+s2+$0x0], $0xffff;
	_ =	sdelay $0x5  }
0x4f: {  	[tilespmem:s11+$0x132C0] =	vst v0;
	v2 =	vld [tilespmem:s11+$0x100E0]  }
0x50: {  	v0 =	vld.idx.msk [tilespmem:v1+s2+$0x0], $0xffff;
	_ =	sdelay $0x5  }
0x51: {  	[tilespmem:s11+$0x132D0] =	vst v0;
	v0 =	vld [tilespmem:s11+$0x100F0]  }
0x52: {  	v1 =	vld.idx.msk [tilespmem:v2+s2+$0x0], $0xffff  }
.Ltmp0:
0x53: {  	(pc) =	sbr.rel @p0 .LBB2_2-.Ltmp0, $2  }
0x54: {  	_ =	sdelay $0x2  }
0x55: {  	s13 =	sshra.s32 s12, $0x2;
	s12 =	sadd.s32 $0x400, s12  }
0x56: {  	_ =	sdelay $0x1  }
0x57: {  	v2 =	vld [tilespmem:s13+$0x10000]  }
0x58: {  	[tilespmem:s11+$0x132E0] =	vst v1  }
0x59: {  	v0 =	vld.idx.msk [tilespmem:v0+s2+$0x0], $0xffff;
	_ =	sdelay $0x3  }
0x5a: {  	v1 =	vld [tilespmem:s13+$0x10010]  }
0x5b: {  	[tilespmem:s11+$0x132F0] =	vst v0  }
0x5c: {  	v0 =	vld.idx.msk [tilespmem:v2+s2+$0x0], $0xffff;
	_ =	sdelay $0x3  }
0x5d: {  	v50 =	vld [tilespmem:s13+$0x10020]  }
0x5e: {  	[tilespmem:s13+$0x13200] =	vst v0  }
0x5f: {  	v1 =	vld.idx.msk [tilespmem:v1+s2+$0x0], $0xffff;
	_ =	sdelay $0x3  }
0x60: {  	v51 =	vld [tilespmem:s13+$0x10030]  }
0x61: {  	[tilespmem:s13+$0x13210] =	vst v1  }
0x62: {  	v0 =	vld.idx.msk [tilespmem:v50+s2+$0x0], $0xffff;
	_ =	sdelay $0x3  }
0x63: {  	v52 =	vld [tilespmem:s13+$0x10040]  }
0x64: {  	[tilespmem:s13+$0x13220] =	vst v0  }
0x65: {  	v1 =	vld.idx.msk [tilespmem:v51+s2+$0x0], $0xffff;
	_ =	sdelay $0x3  }
0x66: {  	v53 =	vld [tilespmem:s13+$0x10050]  }
0x67: {  	[tilespmem:s13+$0x13230] =	vst v1  }
0x68: {  	v0 =	vld.idx.msk [tilespmem:v52+s2+$0x0], $0xffff;
	_ =	sdelay $0x3  }
0x69: {  	v54 =	vld [tilespmem:s13+$0x10060]  }
0x6a: {  	[tilespmem:s13+$0x13240] =	vst v0  }
0x6b: {  	v1 =	vld.idx.msk [tilespmem:v53+s2+$0x0], $0xffff;
	_ =	sdelay $0x3  }
0x6c: {  	v55 =	vld [tilespmem:s13+$0x10070]  }
0x6d: {  	[tilespmem:s13+$0x13250] =	vst v1  }
0x6e: {  	v0 =	vld.idx.msk [tilespmem:v54+s2+$0x0], $0xffff;
	_ =	sdelay $0x3  }
0x6f: {  	v56 =	vld [tilespmem:s13+$0x10080]  }
0x70: {  	[tilespmem:s13+$0x13260] =	vst v0  }
0x71: {  	v1 =	vld.idx.msk [tilespmem:v55+s2+$0x0], $0xffff;
	_ =	sdelay $0x3  }
0x72: {  	v57 =	vld [tilespmem:s13+$0x10090]  }
0x73: {  	[tilespmem:s13+$0x13270] =	vst v1  }
0x74: {  	v0 =	vld.idx.msk [tilespmem:v56+s2+$0x0], $0xffff;
	_ =	sdelay $0x3  }
0x75: {  	v58 =	vld [tilespmem:s13+$0x100A0]  }
0x76: {  	[tilespmem:s13+$0x13280] =	vst v0  }
0x77: {  	v1 =	vld.idx.msk [tilespmem:v57+s2+$0x0], $0xffff;
	_ =	sdelay $0x3  }
0x78: {  	v59 =	vld [tilespmem:s13+$0x100B0]  }
0x79: {  	[tilespmem:s13+$0x13290] =	vst v1  }
0x7a: {  	v0 =	vld.idx.msk [tilespmem:v58+s2+$0x0], $0xffff;
	_ =	sdelay $0x3  }
0x7b: {  	v60 =	vld [tilespmem:s13+$0x100C0]  }
0x7c: {  	[tilespmem:s13+$0x132A0] =	vst v0  }
0x7d: {  	v1 =	vld.idx.msk [tilespmem:v59+s2+$0x0], $0xffff;
	_ =	sdelay $0x3  }
0x7e: {  	v61 =	vld [tilespmem:s13+$0x100D0]  }
0x7f: {  	[tilespmem:s13+$0x132B0] =	vst v1  }
0x80: {  	v0 =	vld.idx.msk [tilespmem:v60+s2+$0x0], $0xffff;
	_ =	sdelay $0x3  }
0x81: {  	v62 =	vld [tilespmem:s13+$0x100E0]  }
0x82: {  	[tilespmem:s13+$0x132C0] =	vst v0  }
0x83: {  	v1 =	vld.idx.msk [tilespmem:v61+s2+$0x0], $0xffff;
	_ =	sdelay $0x3  }
0x84: {  	v63 =	vld [tilespmem:s13+$0x100F0]  }
0x85: {  	[tilespmem:s13+$0x132D0] =	vst v1  }
0x86: {  	v0 =	vld.idx.msk [tilespmem:v62+s2+$0x0], $0xffff;
	_ =	sdelay $0x4  }
0x87: {  	[tilespmem:s13+$0x132E0] =	vst v0  }
0x88: {  	v0 =	vld.idx.msk [tilespmem:v63+s2+$0x0], $0xffff;
	_ =	sdelay $0x2  }
0x89: {  	s10 =	sadd.s32 $0x1, s10  }
0x8a: {  	p0 =	sne.s32 s10, s5  }
.Ltmp1:
0x8b: {  	[tilespmem:s13+$0x132F0] =	vst v0;
	(pc) =	sbr.rel @p0 .LBB2_1-.Ltmp1, $4  }
0x8c: {  	[hbm4b:s4+s2] =	stream.linear.scatter [tilespmem:s9], [sflag:$0x1], $0x3200, $0x38;
	[tilespmem:$0x16400] =	vst v63  }
0x8d: {  	_ =	swait.ge [sflag:s7], $0x3200  }
0x8e: {  	[sflag:s7] =	ssyncset.done $0x0  }
0x8f: {  	[sflag:s7] =	ssyncadd.s32 $0xFFFFCE00  }
0x90: {  	_ =	sfence.sel $0x180000  }
0x91: {  	[bflag:$0x0] =	sbarrier.arrive $0xFFFF  }
0x92: {  	p0 =	sne.s32 s0, $0x0;
	_ =	strace $0x90000047  }
0x93: {  	s0 =	sadd.s32 @!p0 $0x100000, s1;
	[bflag:$0x2] =	sbarrier.arrive $0xFFFF  }
0x94: {  	[sflag:s0] =	ssyncadd.tile.s32 @!p0 $0x1;
	_ =	shalt  }
.Lfunc_end2:
_tile_overlayer_lowered:
.L_overlay_start_2:
0x95: {  	(tag) =	ssettag $0x2  }
0x96: {  	s0 =	rddreg [dreg:$0x0];
	s2 =	stileid.u32  }
0x97: {  	s1 =	rddreg [dreg:$0x1];
	p0 =	sne.s32 s2, $0x0  }
0x98: {  	s3 =	rddreg [dreg:$0x2];
	[bflag:$0x3] =	sbarrier.arrive $0xFFFF;
	s2 =	simm.s32 @!p0 $0x1C01  }
0x99: {  	[timem:s3], [sflag:s2] =	dma.local @!p0 [hbm:s0], s1  }
0x9a: {  	s0 =	simm.s32 @!p0 $0x1  }
0x9b: {  	_ =	swait.ge @!p0 [sflag:s0], s1  }
0x9c: {  	s1 =	ssub.s32 @!p0 $0x0, s1;
	[sflag:s0] =	ssyncset.done @!p0 $0x0  }
0x9d: {  	[sflag:s0] =	ssyncadd.s32 @!p0 s1  }
0x9e: {  	[bflag:$0x3] =	sbarrier.arrive $0xFFFF  }
0x9f: {  	_ =	shalt  }

</sc_bundles>
